<compile_context>
chip_gen: v7x
topology: tpu7x:2x2x1
jax: 0.10.2.dev20260603
libtpu: 0.0.44.dev20260713+nightly
codegen_flags: <defaults>
</compile_context>

<pallas_src>
import dataclasses
import functools

import jax
import jax.numpy as jnp
from jax import lax
from jax.experimental import pallas as pl
from jax.experimental.pallas import tpu as pltpu
from jax.experimental.pallas import tpu_sc as plsc

N = 50000
D = 2
H = 32
E = 800000

AUGW = 48
BLK = 128
NBLK = E // BLK
NS = 16
ROWS_PER_TILE = N // NS
ZR = 125
OCH = 625

_mesh = plsc.VectorSubcoreMesh(core_axis_name="c", subcore_axis_name="s")

_sc_params = pltpu.CompilerParams()
if "needs_layout_passes" in pltpu.CompilerParams.__dataclass_fields__:
    _sc_params = dataclasses.replace(_sc_params, needs_layout_passes=False)
if "use_tc_tiling_on_sc" in pltpu.CompilerParams.__dataclass_fields__:
    _sc_params = dataclasses.replace(_sc_params, use_tc_tiling_on_sc=False)


def _aug_body(x_ref, w_ref, out_ref):
    xb = x_ref[...]
    w = w_ref[...]
    xe = xb[:, 0, :]
    xo = xb[:, 1, :]
    f32 = jnp.float32
    a = (jnp.dot(xe, w[0:32], preferred_element_type=f32)
         + jnp.dot(xo, w[32:64], preferred_element_type=f32))
    b = (jnp.dot(xe, w[64:96], preferred_element_type=f32)
         + jnp.dot(xo, w[96:128], preferred_element_type=f32))
    nb = xb.shape[0]
    out_ref[...] = jnp.concatenate(
        [xb, a[:, :, None], b[:, :, None],
         jnp.zeros((nb, 2, AUGW - 34), f32)], axis=2)


def _build_aug(x3, w):
    nb = 1000
    return pl.pallas_call(
        _aug_body,
        grid=(N // nb,),
        in_specs=[
            pl.BlockSpec((nb, 2, H), lambda i: (i, 0, 0)),
            pl.BlockSpec((2 * D * H, D), lambda i: (0, 0)),
        ],
        out_specs=pl.BlockSpec((nb, 2, AUGW), lambda i: (i, 0, 0)),
        out_shape=jax.ShapeDtypeStruct((N, 2, AUGW), jnp.float32),
    )(x3, w)


def _tanh16(z):
    e = jnp.exp(z * 2.0)
    return 1.0 - 2.0 / (e + 1.0)


@functools.partial(
    pl.kernel,
    out_type=jax.ShapeDtypeStruct((N, D, H), jnp.float32),
    mesh=_mesh,
    compiler_params=_sc_params,
    scratch_types=[
        pltpu.VMEM_SHARED((N, 1, H), jnp.float32),
        pltpu.VMEM((BLK,), jnp.int32),
        pltpu.VMEM((BLK,), jnp.int32),
        pltpu.VMEM((BLK,), jnp.int32),
        pltpu.VMEM((BLK,), jnp.int32),
        pltpu.VMEM((BLK, AUGW), jnp.float32),
        pltpu.VMEM((BLK, AUGW), jnp.float32),
        pltpu.VMEM((BLK, 1, H), jnp.float32),
        pltpu.VMEM((BLK, 1, H), jnp.float32),
        pltpu.VMEM((BLK,), jnp.float32),
        pltpu.VMEM((BLK,), jnp.float32),
        pltpu.VMEM((BLK,), jnp.float32),
        pltpu.VMEM((ZR, 1, H), jnp.float32),
        pltpu.SemaphoreType.DMA,
        pltpu.SemaphoreType.DMA,
    ],
)
def _sheaf_sc(xaug_hbm, row_hbm, col_hbm, out_hbm, acc, rowv, colv, giu, giv,
              xu, xv, pu, pv, pdv, ml2v, mr2v, zb, sem1, sem2):
    cid = lax.axis_index("c")
    sid = lax.axis_index("s")
    d = cid

    @pl.loop(0, ZR)
    def _(i):
        zero16 = jnp.zeros((16,), jnp.float32)
        zb[i, 0, pl.ds(0, 16)] = zero16
        zb[i, 0, pl.ds(16, 16)] = zero16

    @pl.loop(0, ROWS_PER_TILE // ZR)
    def _(k):
        pltpu.sync_copy(zb, acc.at[pl.ds(sid * ROWS_PER_TILE + k * ZR, ZR)])

    plsc.subcore_barrier()

    @pl.loop(sid, NBLK, step=NS)
    def _(blk):
        e0 = blk * BLK
        pltpu.sync_copy(row_hbm.at[pl.ds(e0, BLK)], rowv)
        pltpu.sync_copy(col_hbm.at[pl.ds(e0, BLK)], colv)

        @pl.loop(0, BLK // 16)
        def _(g):
            sl = pl.ds(g * 16, 16)
            giu[sl] = rowv[sl] * 2 + d
            giv[sl] = colv[sl] * 2 + d

        cp1 = pltpu.async_copy(xaug_hbm.at[giu], xu, sem1)
        cp2 = pltpu.async_copy(xaug_hbm.at[giv], xv, sem2)
        cp1.wait()
        cp2.wait()

        @pl.loop(0, BLK // 16)
        def _(g):
            rows = lax.iota(jnp.int32, 16) + g * 16
            ca = jnp.full((16,), 32, jnp.int32)
            cb = jnp.full((16,), 33, jnp.int32)
            au = plsc.load_gather(xu, [rows, ca])
            bu = plsc.load_gather(xu, [rows, cb])
            av = plsc.load_gather(xv, [rows, ca])
            bv = plsc.load_gather(xv, [rows, cb])
            ml = _tanh16(au + bv)
            mr = _tanh16(av + bu)
            sl = pl.ds(g * 16, 16)
            pdv[sl] = ml * mr
            ml2v[sl] = ml * ml
            mr2v[sl] = mr * mr

        @pl.loop(0, BLK)
        def _(e):
            ef = jnp.full((16,), e, jnp.int32)
            cp_ = plsc.load_gather(pdv, [ef])
            cu_ = plsc.load_gather(ml2v, [ef])
            cv_ = plsc.load_gather(mr2v, [ef])
            lo = pl.ds(0, 16)
            hi = pl.ds(16, 16)
            xu0 = xu[e, lo]
            xu1 = xu[e, hi]
            xv0 = xv[e, lo]
            xv1 = xv[e, hi]
            pu[e, 0, lo] = cp_ * xv0 - cu_ * xu0
            pu[e, 0, hi] = cp_ * xv1 - cu_ * xu1
            pv[e, 0, lo] = cp_ * xu0 - cv_ * xv0
            pv[e, 0, hi] = cp_ * xu1 - cv_ * xv1

        pltpu.sync_copy(pu, acc.at[rowv], add=True)
        pltpu.sync_copy(pv, acc.at[colv], add=True)

    plsc.subcore_barrier()

    @pl.loop(0, ROWS_PER_TILE // OCH)
    def _(k):
        base = sid * ROWS_PER_TILE + k * OCH
        pltpu.sync_copy(acc.at[pl.ds(base, OCH)],
                        out_hbm.at[pl.ds(base, OCH), pl.ds(d, 1)])


def kernel(t, x, edge_index, W_sheaf):
    x3 = x.reshape(N, D, H)
    xaug = _build_aug(x3, W_sheaf).reshape(2 * N, AUGW)
    row = edge_index[0]
    col = edge_index[1]
    y = _sheaf_sc(xaug, row, col)
    return y.reshape(N * D, H)

# --- scband reference (transcript-rebuilt; emitter-appended) ---
"""Pipeline reference for scband-inductive-laplacian-odefunc-51049981280260 (READ-ONLY COPY).

The authoritative reference and input builder live on the scoring server;
editing this copy changes nothing except your own understanding.
"""

import jax, jax.numpy as jnp
import numpy as np

N = 50000        # num_nodes
D = 2            # sheaf dimension d (final_d == d since add_hp=add_lp=False)
HIDDEN = 32      # hidden_channels
E = 800000       # num directed edges


def setup_inputs(seed: int = 0) -> dict:
    key = jax.random.key(seed)
    k1, k2, k3 = jax.random.split(key, 3)
    x = jax.random.normal(k1, (N * D, HIDDEN), dtype=jnp.float32)
    # int32 used on the jax side to avoid requiring x64 mode; values in [0, N)
    edge_index = jax.random.randint(k2, (2, E), 0, N, dtype=jnp.int32)
    # Sheaf learner parameter: linear map from concat(x_maps[src], x_maps[dst]) -> d diagonal entries
    fan_in = 2 * D * HIDDEN
    W_sheaf = jax.random.normal(k3, (fan_in, D), dtype=jnp.float32) * (1.0 / np.sqrt(fan_in))
    t = jnp.zeros((), dtype=jnp.float32)
    return {"t": t, "x": x, "edge_index": edge_index, "W_sheaf": W_sheaf}


def reference(t, x, edge_index, W_sheaf):
    # forward(t, x) of InductiveLaplacianODEFunc with sheaf_type='diag',
    # no left/right weights, no weight_learner, no activation, non-normalised.
    row = edge_index[0]
    col = edge_index[1]
    # x_maps = x.view(num_nodes, -1)
    x_maps = x.reshape(N, D * HIDDEN)
    # sheaf_learner: per directed edge, restriction maps from local node features (tanh-bounded)
    h_src = jnp.take(x_maps, row, axis=0)
    h_dst = jnp.take(x_maps, col, axis=0)
    maps_left = jnp.tanh(jnp.concatenate([h_src, h_dst], axis=-1) @ W_sheaf)   # F_{u -> e}, [E, D]
    maps_right = jnp.tanh(jnp.concatenate([h_dst, h_src], axis=-1) @ W_sheaf)  # F_{v -> e}, [E, D]
    # DiagLaplacianBuilder (non-normalised): off-diagonal block (u,v) = -F_u * F_v (diagonal),
    # diagonal block D_u accumulates F^2 over incident edges.
    non_diag = -(maps_left * maps_right)                                        # [E, D]
    diag = jax.ops.segment_sum(maps_left ** 2, row, num_segments=N) + \
           jax.ops.segment_sum(maps_right ** 2, col, num_segments=N)            # [N, D]
    # x = torch_sparse.spmm(L_idx, L_val, N*d, N*d, -x)  => y = L @ (-x)
    x3 = x.reshape(N, D, HIDDEN)
    xm = -x3
    y = diag[:, :, None] * xm
    y = y.at[row].add(non_diag[:, :, None] * jnp.take(xm, col, axis=0))
    y = y.at[col].add(non_diag[:, :, None] * jnp.take(xm, row, axis=0))
    return y.reshape(N * D, HIDDEN)

if __name__ == "__main__":
    import jax
    _d = setup_inputs()
    print(jax.jit(kernel)(*tuple(_d.values())))

</pallas_src>

<mosaic_0001>
#map = affine_map<(d0, d1) -> (0, 0)>
#map1 = affine_map<(d0, d1) -> (0)>
#map2 = affine_map<(d0, d1) -> (0, 0, 0)>
module attributes {stable_mosaic.version = 14 : i64} {
  func.func @_sheaf_sc(%arg0: i32, %arg1: i32, %arg2: memref<100000x48xf32, #tpu.memory_space<hbm>>, %arg3: memref<800000xi32, #tpu.memory_space<hbm>>, %arg4: memref<800000xi32, #tpu.memory_space<hbm>>, %arg5: memref<50000x2x32xf32, #tpu.memory_space<hbm>>, %arg6: memref<50000x1x32xf32, #tpu.memory_space<vmem_shared>>, %arg7: memref<128xi32, #tpu.memory_space<vmem>>, %arg8: memref<128xi32, #tpu.memory_space<vmem>>, %arg9: memref<128xi32, #tpu.memory_space<vmem>>, %arg10: memref<128xi32, #tpu.memory_space<vmem>>, %arg11: memref<128x48xf32, #tpu.memory_space<vmem>>, %arg12: memref<128x48xf32, #tpu.memory_space<vmem>>, %arg13: memref<128x1x32xf32, #tpu.memory_space<vmem>>, %arg14: memref<128x1x32xf32, #tpu.memory_space<vmem>>, %arg15: memref<128xf32, #tpu.memory_space<vmem>>, %arg16: memref<128xf32, #tpu.memory_space<vmem>>, %arg17: memref<128xf32, #tpu.memory_space<vmem>>, %arg18: memref<125x1x32xf32, #tpu.memory_space<vmem>>, %arg19: memref<!tpu.dma_semaphore, #tpu.memory_space<semaphore_mem>>, %arg20: memref<!tpu.dma_semaphore, #tpu.memory_space<semaphore_mem>>) attributes {dimension_semantics = [#tpu.dimension_semantics<core_parallel>, #tpu.dimension_semantics<subcore_parallel>], iteration_bounds = array<i64: 2, 16>, scalar_prefetch = 0 : i64, scratch_operands = 15 : i64, tpu.core_type = #tpu.core_type<sc_vector_subcore>, window_params = [{transform_indices = #map}, {transform_indices = #map1}, {transform_indices = #map1}, {transform_indices = #map2}]} {
    %scan3A = arith.constant 0 : i32
    %scan3A_0 = arith.constant 125 : i32
    %scan3A_1 = arith.addi %scan3A, %scan3A_0 : i32
    %scan3A_2 = arith.constant 1 : i32
    scf.for %scan3A_29 = %scan3A to %scan3A_1 step %scan3A_2  : i32 {
      %mul3A = arith.constant 1 : i32
      %mul3A_30 = arith.muli %scan3A_29, %mul3A : i32
      %add3A_31 = arith.constant 0 : i32
      %add3A_32 = arith.addi %add3A_31, %mul3A_30 : i32
      %broadcast_in_dim3A = arith.constant 0.000000e+00 : f32
      %broadcast_in_dim3A_33 = vector.broadcast %broadcast_in_dim3A : f32 to vector<16xf32>
      %swap3A = arith.constant 0 : i32
      %swap3A_34 = arith.index_cast %add3A_32 : i32 to index
      %swap3A_35 = arith.index_cast %swap3A : i32 to index
      %swap3A_36 = arith.constant 0 : index
      %swap3A_37 = tpu.vector_load %arg18[%swap3A_34, %swap3A_35, %swap3A_36] {strides = array<i32>} : memref<125x1x32xf32, #tpu.memory_space<vmem>>, vector<16xf32>,
      tpu.vector_store %arg18[%swap3A_34, %swap3A_35, %swap3A_36], %broadcast_in_dim3A_33 {strides = array<i32>} : memref<125x1x32xf32, #tpu.memory_space<vmem>>, vector<16xf32>,
      %swap3A_38 = arith.constant 0 : i32
      %swap3A_39 = arith.index_cast %add3A_32 : i32 to index
      %swap3A_40 = arith.index_cast %swap3A_38 : i32 to index
      %swap3A_41 = arith.constant 16 : index
      %swap3A_42 = tpu.vector_load %arg18[%swap3A_39, %swap3A_40, %swap3A_41] {strides = array<i32>} : memref<125x1x32xf32, #tpu.memory_space<vmem>>, vector<16xf32>,
      tpu.vector_store %arg18[%swap3A_39, %swap3A_40, %swap3A_41], %broadcast_in_dim3A_33 {strides = array<i32>} : memref<125x1x32xf32, #tpu.memory_space<vmem>>, vector<16xf32>,
    }
    %scan3A_3 = arith.constant 125 : i32
    %scan3A_4 = arith.constant 0 : i32
    %scan3A_5 = arith.constant 25 : i32
    %scan3A_6 = arith.addi %scan3A_4, %scan3A_5 : i32
    %scan3A_7 = arith.constant 1 : i32
    scf.for %scan3A_29 = %scan3A_4 to %scan3A_6 step %scan3A_7  : i32 {
      %mul3A = arith.constant 1 : i32
      %mul3A_30 = arith.muli %scan3A_29, %mul3A : i32
      %add3A_31 = arith.constant 0 : i32
      %add3A_32 = arith.addi %add3A_31, %mul3A_30 : i32
      %mul3A_33 = arith.constant 3125 : i32
      %mul3A_34 = arith.muli %arg1, %mul3A_33 : i32
      %mul3A_35 = arith.constant 125 : i32
      %mul3A_36 = arith.muli %add3A_32, %mul3A_35 : i32
      %add3A_37 = arith.addi %mul3A_34, %mul3A_36 : i32
      "tpu.region"() ({
        %run_scoped3A = tpu.sem_alloc : memref<!tpu.dma_semaphore, #tpu.memory_space<semaphore_mem>>
        %dma_start3A = arith.constant 0 : i32
        %dma_start3A_38 = arith.constant 0 : i32
        %dma_start3A_39 = tpu.memref_slice %arg6[%add3A_37, %dma_start3A, %dma_start3A_38] : memref<50000x1x32xf32, #tpu.memory_space<vmem_shared>> -> memref<125x1x32xf32, #tpu.memory_space<vmem_shared>>
        %dma_start3A_40 = arith.constant 0 : i32
        %dma_start3A_41 = arith.constant 0 : i32
        %dma_start3A_42 = tpu.memref_slice %arg6[%add3A_37, %dma_start3A_40, %dma_start3A_41] : memref<50000x1x32xf32, #tpu.memory_space<vmem_shared>> -> memref<125x1x32xf32, #tpu.memory_space<vmem_shared>>
        tpu.enqueue_dma source(%arg18 : memref<125x1x32xf32, #tpu.memory_space<vmem>>) target(%dma_start3A_42 : memref<125x1x32xf32, #tpu.memory_space<vmem_shared>>) target_semaphore(%run_scoped3A : memref<!tpu.dma_semaphore, #tpu.memory_space<semaphore_mem>>)
        %dma_wait3A = arith.constant 0 : i32
        %dma_wait3A_43 = arith.constant 0 : i32
        %dma_wait3A_44 = tpu.memref_slice %arg6[%add3A_37, %dma_wait3A, %dma_wait3A_43] : memref<50000x1x32xf32, #tpu.memory_space<vmem_shared>> -> memref<125x1x32xf32, #tpu.memory_space<vmem_shared>>
        %dma_wait3A_45 = arith.constant 0 : i32
        %dma_wait3A_46 = arith.constant 0 : i32
        %dma_wait3A_47 = tpu.memref_slice %arg6[%add3A_37, %dma_wait3A_45, %dma_wait3A_46] : memref<50000x1x32xf32, #tpu.memory_space<vmem_shared>> -> memref<125x1x32xf32, #tpu.memory_space<vmem_shared>>
        tpu.wait_dma2 semaphore(%run_scoped3A : memref<!tpu.dma_semaphore, #tpu.memory_space<semaphore_mem>>) src(%arg18 : memref<125x1x32xf32, #tpu.memory_space<vmem>>) dst(%dma_wait3A_47 : memref<125x1x32xf32, #tpu.memory_space<vmem_shared>>)
        tpu.yield
      }) : () -> ()
    }
    %scan3A_8 = arith.constant 25 : i32
    %barrier3A = arith.constant 0 : index
    tpu.barrier barrier_id(%barrier3A)
    %sub3A = arith.constant 6250 : i32
    %sub3A_9 = arith.subi %sub3A, %arg1 : i32
    %sub3A_10 = arith.constant 16 : i32
    %sub3A_11 = arith.constant 1 : i32
    %sub3A_12 = arith.subi %sub3A_10, %sub3A_11 : i32
    %add3A = arith.addi %sub3A_9, %sub3A_12 : i32
    %div3A = arith.constant 16 : i32
    %div3A_13 = arith.divsi %add3A, %div3A : i32
    %while3A = arith.constant 16 : i32
    %while3A_14 = arith.constant 0 : i32
    %while3A_15 = arith.subi %div3A_13, %while3A_14 : i32
    %while3A_16 = arith.addi %while3A_14, %while3A_15 : i32
    %while3A_17 = arith.constant 1 : i32
    %while3A_18 = arith.divsi %while3A_15, %while3A_17 : i32
    %while3A_19 = arith.muli %while3A_18, %while3A_17 : i32
    %while3A_20 = arith.addi %while3A_14, %while3A_19 : i32
    %while3A_21 = arith.constant 1 : i32
    scf.for %while3A_29 = %while3A_14 to %while3A_20 step %while3A_21  : i32 {
      %mul3A = arith.muli %while3A_29, %while3A : i32
      %add3A_30 = arith.addi %arg1, %mul3A : i32
      %mul3A_31 = arith.constant 128 : i32
      %mul3A_32 = arith.muli %add3A_30, %mul3A_31 : i32
      "tpu.region"() ({
        %run_scoped3A = tpu.sem_alloc : memref<!tpu.dma_semaphore, #tpu.memory_space<semaphore_mem>>
        %dma_start3A_58 = tpu.memref_slice %arg3[%mul3A_32] : memref<800000xi32, #tpu.memory_space<hbm>> -> memref<128xi32, #tpu.memory_space<hbm>>
        %dma_start3A_59 = tpu.memref_slice %arg3[%mul3A_32] : memref<800000xi32, #tpu.memory_space<hbm>> -> memref<128xi32, #tpu.memory_space<hbm>>
        tpu.enqueue_dma source(%dma_start3A_59 : memref<128xi32, #tpu.memory_space<hbm>>) target(%arg7 : memref<128xi32, #tpu.memory_space<vmem>>) target_semaphore(%run_scoped3A : memref<!tpu.dma_semaphore, #tpu.memory_space<semaphore_mem>>)
        %dma_wait3A_60 = tpu.memref_slice %arg3[%mul3A_32] : memref<800000xi32, #tpu.memory_space<hbm>> -> memref<128xi32, #tpu.memory_space<hbm>>
        %dma_wait3A_61 = tpu.memref_slice %arg3[%mul3A_32] : memref<800000xi32, #tpu.memory_space<hbm>> -> memref<128xi32, #tpu.memory_space<hbm>>
        tpu.wait_dma2 semaphore(%run_scoped3A : memref<!tpu.dma_semaphore, #tpu.memory_space<semaphore_mem>>) src(%dma_wait3A_61 : memref<128xi32, #tpu.memory_space<hbm>>) dst(%arg7 : memref<128xi32, #tpu.memory_space<vmem>>)
        tpu.yield
      }) : () -> ()
      "tpu.region"() ({
        %run_scoped3A = tpu.sem_alloc : memref<!tpu.dma_semaphore, #tpu.memory_space<semaphore_mem>>
        %dma_start3A_58 = tpu.memref_slice %arg4[%mul3A_32] : memref<800000xi32, #tpu.memory_space<hbm>> -> memref<128xi32, #tpu.memory_space<hbm>>
        %dma_start3A_59 = tpu.memref_slice %arg4[%mul3A_32] : memref<800000xi32, #tpu.memory_space<hbm>> -> memref<128xi32, #tpu.memory_space<hbm>>
        tpu.enqueue_dma source(%dma_start3A_59 : memref<128xi32, #tpu.memory_space<hbm>>) target(%arg8 : memref<128xi32, #tpu.memory_space<vmem>>) target_semaphore(%run_scoped3A : memref<!tpu.dma_semaphore, #tpu.memory_space<semaphore_mem>>)
        %dma_wait3A_60 = tpu.memref_slice %arg4[%mul3A_32] : memref<800000xi32, #tpu.memory_space<hbm>> -> memref<128xi32, #tpu.memory_space<hbm>>
        %dma_wait3A_61 = tpu.memref_slice %arg4[%mul3A_32] : memref<800000xi32, #tpu.memory_space<hbm>> -> memref<128xi32, #tpu.memory_space<hbm>>
        tpu.wait_dma2 semaphore(%run_scoped3A : memref<!tpu.dma_semaphore, #tpu.memory_space<semaphore_mem>>) src(%dma_wait3A_61 : memref<128xi32, #tpu.memory_space<hbm>>) dst(%arg8 : memref<128xi32, #tpu.memory_space<vmem>>)
        tpu.yield
      }) : () -> ()
      %scan3A_33 = arith.constant 0 : i32
      %scan3A_34 = arith.constant 8 : i32
      %scan3A_35 = arith.addi %scan3A_33, %scan3A_34 : i32
      %scan3A_36 = arith.constant 1 : i32
      scf.for %scan3A_58 = %scan3A_33 to %scan3A_35 step %scan3A_36  : i32 {
        %mul3A_59 = arith.constant 1 : i32
        %mul3A_60 = arith.muli %scan3A_58, %mul3A_59 : i32
        %add3A_61 = arith.constant 0 : i32
        %add3A_62 = arith.addi %add3A_61, %mul3A_60 : i32
        %mul3A_63 = arith.constant 16 : i32
        %mul3A_64 = arith.muli %add3A_62, %mul3A_63 : i32
        %get3A = arith.index_cast %mul3A_64 : i32 to index
        %get3A_65 = tpu.vector_load %arg7[%get3A] {strides = array<i32>} : memref<128xi32, #tpu.memory_space<vmem>>, vector<16xi32>,
        %mul3A_66 = arith.constant 2 : i32
        %mul3A_67 = vector.broadcast %mul3A_66 : i32 to vector<16xi32>
        %mul3A_68 = arith.muli %get3A_65, %mul3A_67 : vector<16xi32>
        %add3A_69 = vector.broadcast %arg0 : i32 to vector<16xi32>
        %add3A_70 = arith.addi %mul3A_68, %add3A_69 : vector<16xi32>
        %swap3A = arith.index_cast %mul3A_64 : i32 to index
        %swap3A_71 = tpu.vector_load %arg9[%swap3A] {strides = array<i32>} : memref<128xi32, #tpu.memory_space<vmem>>, vector<16xi32>,
        tpu.vector_store %arg9[%swap3A], %add3A_70 {strides = array<i32>} : memref<128xi32, #tpu.memory_space<vmem>>, vector<16xi32>,
        %get3A_72 = arith.index_cast %mul3A_64 : i32 to index
        %get3A_73 = tpu.vector_load %arg8[%get3A_72] {strides = array<i32>} : memref<128xi32, #tpu.memory_space<vmem>>, vector<16xi32>,
        %mul3A_74 = arith.constant 2 : i32
        %mul3A_75 = vector.broadcast %mul3A_74 : i32 to vector<16xi32>
        %mul3A_76 = arith.muli %get3A_73, %mul3A_75 : vector<16xi32>
        %add3A_77 = vector.broadcast %arg0 : i32 to vector<16xi32>
        %add3A_78 = arith.addi %mul3A_76, %add3A_77 : vector<16xi32>
        %swap3A_79 = arith.index_cast %mul3A_64 : i32 to index
        %swap3A_80 = tpu.vector_load %arg10[%swap3A_79] {strides = array<i32>} : memref<128xi32, #tpu.memory_space<vmem>>, vector<16xi32>,
        tpu.vector_store %arg10[%swap3A_79], %add3A_78 {strides = array<i32>} : memref<128xi32, #tpu.memory_space<vmem>>, vector<16xi32>,
      }
      %scan3A_37 = arith.constant 8 : i32
      %dma_start3A = arith.constant 0 : i32
      %dma_start3A_38 = arith.constant 0 : i32
      %dma_start3A_39 = tpu.memref_slice %arg2[%dma_start3A, %dma_start3A_38] : memref<100000x48xf32, #tpu.memory_space<hbm>> -> memref<100000x48xf32, #tpu.memory_space<hbm>>
      tpu.enqueue_indirect_dma source(%dma_start3A_39 : memref<100000x48xf32, #tpu.memory_space<hbm>>) target(%arg11 : memref<128x48xf32, #tpu.memory_space<vmem>>) offsets(%arg9 : memref<128xi32, #tpu.memory_space<vmem>>) semaphore(%arg19 : memref<!tpu.dma_semaphore, #tpu.memory_space<semaphore_mem>>)
      %dma_start3A_40 = arith.constant 0 : i32
      %dma_start3A_41 = arith.constant 0 : i32
      %dma_start3A_42 = tpu.memref_slice %arg2[%dma_start3A_40, %dma_start3A_41] : memref<100000x48xf32, #tpu.memory_space<hbm>> -> memref<100000x48xf32, #tpu.memory_space<hbm>>
      tpu.enqueue_indirect_dma source(%dma_start3A_42 : memref<100000x48xf32, #tpu.memory_space<hbm>>) target(%arg12 : memref<128x48xf32, #tpu.memory_space<vmem>>) offsets(%arg10 : memref<128xi32, #tpu.memory_space<vmem>>) semaphore(%arg20 : memref<!tpu.dma_semaphore, #tpu.memory_space<semaphore_mem>>)
      %dma_wait3A = arith.constant 0 : i32
      %dma_wait3A_43 = arith.constant 0 : i32
      %dma_wait3A_44 = tpu.memref_slice %arg2[%dma_wait3A, %dma_wait3A_43] : memref<100000x48xf32, #tpu.memory_space<hbm>> -> memref<100000x48xf32, #tpu.memory_space<hbm>>
      tpu.wait_indirect_dma semaphore(%arg19 : memref<!tpu.dma_semaphore, #tpu.memory_space<semaphore_mem>>) src(%dma_wait3A_44 : memref<100000x48xf32, #tpu.memory_space<hbm>>) dst(%arg11 : memref<128x48xf32, #tpu.memory_space<vmem>>)
      %dma_wait3A_45 = arith.constant 0 : i32
      %dma_wait3A_46 = arith.constant 0 : i32
      %dma_wait3A_47 = tpu.memref_slice %arg2[%dma_wait3A_45, %dma_wait3A_46] : memref<100000x48xf32, #tpu.memory_space<hbm>> -> memref<100000x48xf32, #tpu.memory_space<hbm>>
      tpu.wait_indirect_dma semaphore(%arg20 : memref<!tpu.dma_semaphore, #tpu.memory_space<semaphore_mem>>) src(%dma_wait3A_47 : memref<100000x48xf32, #tpu.memory_space<hbm>>) dst(%arg12 : memref<128x48xf32, #tpu.memory_space<vmem>>)
      %scan3A_48 = arith.constant 0 : i32
      %scan3A_49 = arith.constant 8 : i32
      %scan3A_50 = arith.addi %scan3A_48, %scan3A_49 : i32
      %scan3A_51 = arith.constant 1 : i32
      scf.for %scan3A_58 = %scan3A_48 to %scan3A_50 step %scan3A_51  : i32 {
        %mul3A_59 = arith.constant 1 : i32
        %mul3A_60 = arith.muli %scan3A_58, %mul3A_59 : i32
        %add3A_61 = arith.constant 0 : i32
        %add3A_62 = arith.addi %add3A_61, %mul3A_60 : i32
        %iota3A = tpu.iota {dimensions = array<i32: 0>} : vector<16xi32>
        %mul3A_63 = arith.constant 16 : i32
        %mul3A_64 = arith.muli %add3A_62, %mul3A_63 : i32
        %add3A_65 = vector.broadcast %mul3A_64 : i32 to vector<16xi32>
        %add3A_66 = arith.addi %iota3A, %add3A_65 : vector<16xi32>
        %broadcast_in_dim3A = arith.constant 32 : i32
        %broadcast_in_dim3A_67 = vector.broadcast %broadcast_in_dim3A : i32 to vector<16xi32>
        %broadcast_in_dim3A_68 = arith.constant 33 : i32
        %broadcast_in_dim3A_69 = vector.broadcast %broadcast_in_dim3A_68 : i32 to vector<16xi32>
        %gather3A = tpu.vector_load_idx %arg11[%add3A_66, %broadcast_in_dim3A_67] : memref<128x48xf32, #tpu.memory_space<vmem>>[vector<16xi32>, vector<16xi32>], vector<16xf32>,
        %gather3A_70 = tpu.vector_load_idx %arg11[%add3A_66, %broadcast_in_dim3A_69] : memref<128x48xf32, #tpu.memory_space<vmem>>[vector<16xi32>, vector<16xi32>], vector<16xf32>,
        %gather3A_71 = tpu.vector_load_idx %arg12[%add3A_66, %broadcast_in_dim3A_67] : memref<128x48xf32, #tpu.memory_space<vmem>>[vector<16xi32>, vector<16xi32>], vector<16xf32>,
        %gather3A_72 = tpu.vector_load_idx %arg12[%add3A_66, %broadcast_in_dim3A_69] : memref<128x48xf32, #tpu.memory_space<vmem>>[vector<16xi32>, vector<16xi32>], vector<16xf32>,
        %add3A_73 = arith.addf %gather3A, %gather3A_72 : vector<16xf32>
        %mul3A_74 = arith.constant 2.000000e+00 : f32
        %mul3A_75 = vector.broadcast %mul3A_74 : f32 to vector<16xf32>
        %mul3A_76 = arith.mulf %add3A_73, %mul3A_75 : vector<16xf32>
        %exp3A = math.exp %mul3A_76 : vector<16xf32>
        %add3A_77 = arith.constant 1.000000e+00 : f32
        %add3A_78 = vector.broadcast %add3A_77 : f32 to vector<16xf32>
        %add3A_79 = arith.addf %exp3A, %add3A_78 : vector<16xf32>
        %div3A_80 = arith.constant 2.000000e+00 : f32
        %div3A_81 = vector.broadcast %div3A_80 : f32 to vector<16xf32>
        %div3A_82 = arith.divf %div3A_81, %add3A_79 : vector<16xf32>
        %sub3A_83 = arith.constant 1.000000e+00 : f32
        %sub3A_84 = vector.broadcast %sub3A_83 : f32 to vector<16xf32>
        %sub3A_85 = arith.subf %sub3A_84, %div3A_82 : vector<16xf32>
        %add3A_86 = arith.addf %gather3A_71, %gather3A_70 : vector<16xf32>
        %mul3A_87 = arith.constant 2.000000e+00 : f32
        %mul3A_88 = vector.broadcast %mul3A_87 : f32 to vector<16xf32>
        %mul3A_89 = arith.mulf %add3A_86, %mul3A_88 : vector<16xf32>
        %exp3A_90 = math.exp %mul3A_89 : vector<16xf32>
        %add3A_91 = arith.constant 1.000000e+00 : f32
        %add3A_92 = vector.broadcast %add3A_91 : f32 to vector<16xf32>
        %add3A_93 = arith.addf %exp3A_90, %add3A_92 : vector<16xf32>
        %div3A_94 = arith.constant 2.000000e+00 : f32
        %div3A_95 = vector.broadcast %div3A_94 : f32 to vector<16xf32>
        %div3A_96 = arith.divf %div3A_95, %add3A_93 : vector<16xf32>
        %sub3A_97 = arith.constant 1.000000e+00 : f32
        %sub3A_98 = vector.broadcast %sub3A_97 : f32 to vector<16xf32>
        %sub3A_99 = arith.subf %sub3A_98, %div3A_96 : vector<16xf32>
        %mul3A_100 = arith.constant 16 : i32
        %mul3A_101 = arith.muli %add3A_62, %mul3A_100 : i32
        %mul3A_102 = arith.mulf %sub3A_85, %sub3A_99 : vector<16xf32>
        %swap3A = arith.index_cast %mul3A_101 : i32 to index
        %swap3A_103 = tpu.vector_load %arg15[%swap3A] {strides = array<i32>} : memref<128xf32, #tpu.memory_space<vmem>>, vector<16xf32>,
        tpu.vector_store %arg15[%swap3A], %mul3A_102 {strides = array<i32>} : memref<128xf32, #tpu.memory_space<vmem>>, vector<16xf32>,
        %mul3A_104 = arith.mulf %sub3A_85, %sub3A_85 : vector<16xf32>
        %swap3A_105 = arith.index_cast %mul3A_101 : i32 to index
        %swap3A_106 = tpu.vector_load %arg16[%swap3A_105] {strides = array<i32>} : memref<128xf32, #tpu.memory_space<vmem>>, vector<16xf32>,
        tpu.vector_store %arg16[%swap3A_105], %mul3A_104 {strides = array<i32>} : memref<128xf32, #tpu.memory_space<vmem>>, vector<16xf32>,
        %mul3A_107 = arith.mulf %sub3A_99, %sub3A_99 : vector<16xf32>
        %swap3A_108 = arith.index_cast %mul3A_101 : i32 to index
        %swap3A_109 = tpu.vector_load %arg17[%swap3A_108] {strides = array<i32>} : memref<128xf32, #tpu.memory_space<vmem>>, vector<16xf32>,
        tpu.vector_store %arg17[%swap3A_108], %mul3A_107 {strides = array<i32>} : memref<128xf32, #tpu.memory_space<vmem>>, vector<16xf32>,
      }
      %scan3A_52 = arith.constant 8 : i32
      %scan3A_53 = arith.constant 0 : i32
      %scan3A_54 = arith.constant 128 : i32
      %scan3A_55 = arith.addi %scan3A_53, %scan3A_54 : i32
      %scan3A_56 = arith.constant 1 : i32
      scf.for %scan3A_58 = %scan3A_53 to %scan3A_55 step %scan3A_56  : i32 {
        %mul3A_59 = arith.constant 1 : i32
        %mul3A_60 = arith.muli %scan3A_58, %mul3A_59 : i32
        %add3A_61 = arith.constant 0 : i32
        %add3A_62 = arith.addi %add3A_61, %mul3A_60 : i32
        %broadcast_in_dim3A = vector.broadcast %add3A_62 : i32 to vector<16xi32>
        %gather3A = tpu.vector_load_idx %arg15[%broadcast_in_dim3A] : memref<128xf32, #tpu.memory_space<vmem>>[vector<16xi32>], vector<16xf32>,
        %gather3A_63 = tpu.vector_load_idx %arg16[%broadcast_in_dim3A] : memref<128xf32, #tpu.memory_space<vmem>>[vector<16xi32>], vector<16xf32>,
        %gather3A_64 = tpu.vector_load_idx %arg17[%broadcast_in_dim3A] : memref<128xf32, #tpu.memory_space<vmem>>[vector<16xi32>], vector<16xf32>,
        %get3A = arith.index_cast %add3A_62 : i32 to index
        %get3A_65 = arith.constant 0 : index
        %get3A_66 = tpu.vector_load %arg11[%get3A, %get3A_65] {strides = array<i32>} : memref<128x48xf32, #tpu.memory_space<vmem>>, vector<16xf32>,
        %get3A_67 = arith.index_cast %add3A_62 : i32 to index
        %get3A_68 = arith.constant 16 : index
        %get3A_69 = tpu.vector_load %arg11[%get3A_67, %get3A_68] {strides = array<i32>} : memref<128x48xf32, #tpu.memory_space<vmem>>, vector<16xf32>,
        %get3A_70 = arith.index_cast %add3A_62 : i32 to index
        %get3A_71 = arith.constant 0 : index
        %get3A_72 = tpu.vector_load %arg12[%get3A_70, %get3A_71] {strides = array<i32>} : memref<128x48xf32, #tpu.memory_space<vmem>>, vector<16xf32>,
        %get3A_73 = arith.index_cast %add3A_62 : i32 to index
        %get3A_74 = arith.constant 16 : index
        %get3A_75 = tpu.vector_load %arg12[%get3A_73, %get3A_74] {strides = array<i32>} : memref<128x48xf32, #tpu.memory_space<vmem>>, vector<16xf32>,
        %mul3A_76 = arith.mulf %gather3A, %get3A_72 : vector<16xf32>
        %mul3A_77 = arith.mulf %gather3A_63, %get3A_66 : vector<16xf32>
        %sub3A_78 = arith.subf %mul3A_76, %mul3A_77 : vector<16xf32>
        %swap3A = arith.constant 0 : i32
        %swap3A_79 = arith.index_cast %add3A_62 : i32 to index
        %swap3A_80 = arith.index_cast %swap3A : i32 to index
        %swap3A_81 = arith.constant 0 : index
        %swap3A_82 = tpu.vector_load %arg13[%swap3A_79, %swap3A_80, %swap3A_81] {strides = array<i32>} : memref<128x1x32xf32, #tpu.memory_space<vmem>>, vector<16xf32>,
        tpu.vector_store %arg13[%swap3A_79, %swap3A_80, %swap3A_81], %sub3A_78 {strides = array<i32>} : memref<128x1x32xf32, #tpu.memory_space<vmem>>, vector<16xf32>,
        %mul3A_83 = arith.mulf %gather3A, %get3A_75 : vector<16xf32>
        %mul3A_84 = arith.mulf %gather3A_63, %get3A_69 : vector<16xf32>
        %sub3A_85 = arith.subf %mul3A_83, %mul3A_84 : vector<16xf32>
        %swap3A_86 = arith.constant 0 : i32
        %swap3A_87 = arith.index_cast %add3A_62 : i32 to index
        %swap3A_88 = arith.index_cast %swap3A_86 : i32 to index
        %swap3A_89 = arith.constant 16 : index
        %swap3A_90 = tpu.vector_load %arg13[%swap3A_87, %swap3A_88, %swap3A_89] {strides = array<i32>} : memref<128x1x32xf32, #tpu.memory_space<vmem>>, vector<16xf32>,
        tpu.vector_store %arg13[%swap3A_87, %swap3A_88, %swap3A_89], %sub3A_85 {strides = array<i32>} : memref<128x1x32xf32, #tpu.memory_space<vmem>>, vector<16xf32>,
        %mul3A_91 = arith.mulf %gather3A, %get3A_66 : vector<16xf32>
        %mul3A_92 = arith.mulf %gather3A_64, %get3A_72 : vector<16xf32>
        %sub3A_93 = arith.subf %mul3A_91, %mul3A_92 : vector<16xf32>
        %swap3A_94 = arith.constant 0 : i32
        %swap3A_95 = arith.index_cast %add3A_62 : i32 to index
        %swap3A_96 = arith.index_cast %swap3A_94 : i32 to index
        %swap3A_97 = arith.constant 0 : index
        %swap3A_98 = tpu.vector_load %arg14[%swap3A_95, %swap3A_96, %swap3A_97] {strides = array<i32>} : memref<128x1x32xf32, #tpu.memory_space<vmem>>, vector<16xf32>,
        tpu.vector_store %arg14[%swap3A_95, %swap3A_96, %swap3A_97], %sub3A_93 {strides = array<i32>} : memref<128x1x32xf32, #tpu.memory_space<vmem>>, vector<16xf32>,
        %mul3A_99 = arith.mulf %gather3A, %get3A_69 : vector<16xf32>
        %mul3A_100 = arith.mulf %gather3A_64, %get3A_75 : vector<16xf32>
        %sub3A_101 = arith.subf %mul3A_99, %mul3A_100 : vector<16xf32>
        %swap3A_102 = arith.constant 0 : i32
        %swap3A_103 = arith.index_cast %add3A_62 : i32 to index
        %swap3A_104 = arith.index_cast %swap3A_102 : i32 to index
        %swap3A_105 = arith.constant 16 : index
        %swap3A_106 = tpu.vector_load %arg14[%swap3A_103, %swap3A_104, %swap3A_105] {strides = array<i32>} : memref<128x1x32xf32, #tpu.memory_space<vmem>>, vector<16xf32>,
        tpu.vector_store %arg14[%swap3A_103, %swap3A_104, %swap3A_105], %sub3A_101 {strides = array<i32>} : memref<128x1x32xf32, #tpu.memory_space<vmem>>, vector<16xf32>,
      }
      %scan3A_57 = arith.constant 128 : i32
      "tpu.region"() ({
        %run_scoped3A = tpu.sem_alloc : memref<!tpu.dma_semaphore, #tpu.memory_space<semaphore_mem>>
        %dma_start3A_58 = arith.constant 0 : i32
        %dma_start3A_59 = arith.constant 0 : i32
        %dma_start3A_60 = arith.constant 0 : i32
        %dma_start3A_61 = tpu.memref_slice %arg6[%dma_start3A_58, %dma_start3A_59, %dma_start3A_60] : memref<50000x1x32xf32, #tpu.memory_space<vmem_shared>> -> memref<50000x1x32xf32, #tpu.memory_space<vmem_shared>>
        tpu.enqueue_indirect_dma source(%arg13 : memref<128x1x32xf32, #tpu.memory_space<vmem>>) target(%dma_start3A_61 : memref<50000x1x32xf32, #tpu.memory_space<vmem_shared>>) offsets(%arg7 : memref<128xi32, #tpu.memory_space<vmem>>) semaphore(%run_scoped3A : memref<!tpu.dma_semaphore, #tpu.memory_space<semaphore_mem>>) {add = true}
        %dma_wait3A_62 = arith.constant 0 : i32
        %dma_wait3A_63 = arith.constant 0 : i32
        %dma_wait3A_64 = arith.constant 0 : i32
        %dma_wait3A_65 = tpu.memref_slice %arg6[%dma_wait3A_62, %dma_wait3A_63, %dma_wait3A_64] : memref<50000x1x32xf32, #tpu.memory_space<vmem_shared>> -> memref<50000x1x32xf32, #tpu.memory_space<vmem_shared>>
        tpu.wait_indirect_dma semaphore(%run_scoped3A : memref<!tpu.dma_semaphore, #tpu.memory_space<semaphore_mem>>) src(%arg13 : memref<128x1x32xf32, #tpu.memory_space<vmem>>) dst(%dma_wait3A_65 : memref<50000x1x32xf32, #tpu.memory_space<vmem_shared>>)
        tpu.yield
      }) : () -> ()
      "tpu.region"() ({
        %run_scoped3A = tpu.sem_alloc : memref<!tpu.dma_semaphore, #tpu.memory_space<semaphore_mem>>
        %dma_start3A_58 = arith.constant 0 : i32
        %dma_start3A_59 = arith.constant 0 : i32
        %dma_start3A_60 = arith.constant 0 : i32
        %dma_start3A_61 = tpu.memref_slice %arg6[%dma_start3A_58, %dma_start3A_59, %dma_start3A_60] : memref<50000x1x32xf32, #tpu.memory_space<vmem_shared>> -> memref<50000x1x32xf32, #tpu.memory_space<vmem_shared>>
        tpu.enqueue_indirect_dma source(%arg14 : memref<128x1x32xf32, #tpu.memory_space<vmem>>) target(%dma_start3A_61 : memref<50000x1x32xf32, #tpu.memory_space<vmem_shared>>) offsets(%arg8 : memref<128xi32, #tpu.memory_space<vmem>>) semaphore(%run_scoped3A : memref<!tpu.dma_semaphore, #tpu.memory_space<semaphore_mem>>) {add = true}
        %dma_wait3A_62 = arith.constant 0 : i32
        %dma_wait3A_63 = arith.constant 0 : i32
        %dma_wait3A_64 = arith.constant 0 : i32
        %dma_wait3A_65 = tpu.memref_slice %arg6[%dma_wait3A_62, %dma_wait3A_63, %dma_wait3A_64] : memref<50000x1x32xf32, #tpu.memory_space<vmem_shared>> -> memref<50000x1x32xf32, #tpu.memory_space<vmem_shared>>
        tpu.wait_indirect_dma semaphore(%run_scoped3A : memref<!tpu.dma_semaphore, #tpu.memory_space<semaphore_mem>>) src(%arg14 : memref<128x1x32xf32, #tpu.memory_space<vmem>>) dst(%dma_wait3A_65 : memref<50000x1x32xf32, #tpu.memory_space<vmem_shared>>)
        tpu.yield
      }) : () -> ()
    }
    %while3A_22 = arith.constant 1 : i32
    scf.for %while3A_29 = %while3A_20 to %while3A_16 step %while3A_22  : i32 {
      %mul3A = arith.muli %while3A_29, %while3A : i32
      %add3A_30 = arith.addi %arg1, %mul3A : i32
      %mul3A_31 = arith.constant 128 : i32
      %mul3A_32 = arith.muli %add3A_30, %mul3A_31 : i32
      "tpu.region"() ({
        %run_scoped3A = tpu.sem_alloc : memref<!tpu.dma_semaphore, #tpu.memory_space<semaphore_mem>>
        %dma_start3A_58 = tpu.memref_slice %arg3[%mul3A_32] : memref<800000xi32, #tpu.memory_space<hbm>> -> memref<128xi32, #tpu.memory_space<hbm>>
        %dma_start3A_59 = tpu.memref_slice %arg3[%mul3A_32] : memref<800000xi32, #tpu.memory_space<hbm>> -> memref<128xi32, #tpu.memory_space<hbm>>
        tpu.enqueue_dma source(%dma_start3A_59 : memref<128xi32, #tpu.memory_space<hbm>>) target(%arg7 : memref<128xi32, #tpu.memory_space<vmem>>) target_semaphore(%run_scoped3A : memref<!tpu.dma_semaphore, #tpu.memory_space<semaphore_mem>>)
        %dma_wait3A_60 = tpu.memref_slice %arg3[%mul3A_32] : memref<800000xi32, #tpu.memory_space<hbm>> -> memref<128xi32, #tpu.memory_space<hbm>>
        %dma_wait3A_61 = tpu.memref_slice %arg3[%mul3A_32] : memref<800000xi32, #tpu.memory_space<hbm>> -> memref<128xi32, #tpu.memory_space<hbm>>
        tpu.wait_dma2 semaphore(%run_scoped3A : memref<!tpu.dma_semaphore, #tpu.memory_space<semaphore_mem>>) src(%dma_wait3A_61 : memref<128xi32, #tpu.memory_space<hbm>>) dst(%arg7 : memref<128xi32, #tpu.memory_space<vmem>>)
        tpu.yield
      }) : () -> ()
      "tpu.region"() ({
        %run_scoped3A = tpu.sem_alloc : memref<!tpu.dma_semaphore, #tpu.memory_space<semaphore_mem>>
        %dma_start3A_58 = tpu.memref_slice %arg4[%mul3A_32] : memref<800000xi32, #tpu.memory_space<hbm>> -> memref<128xi32, #tpu.memory_space<hbm>>
        %dma_start3A_59 = tpu.memref_slice %arg4[%mul3A_32] : memref<800000xi32, #tpu.memory_space<hbm>> -> memref<128xi32, #tpu.memory_space<hbm>>
        tpu.enqueue_dma source(%dma_start3A_59 : memref<128xi32, #tpu.memory_space<hbm>>) target(%arg8 : memref<128xi32, #tpu.memory_space<vmem>>) target_semaphore(%run_scoped3A : memref<!tpu.dma_semaphore, #tpu.memory_space<semaphore_mem>>)
        %dma_wait3A_60 = tpu.memref_slice %arg4[%mul3A_32] : memref<800000xi32, #tpu.memory_space<hbm>> -> memref<128xi32, #tpu.memory_space<hbm>>
        %dma_wait3A_61 = tpu.memref_slice %arg4[%mul3A_32] : memref<800000xi32, #tpu.memory_space<hbm>> -> memref<128xi32, #tpu.memory_space<hbm>>
        tpu.wait_dma2 semaphore(%run_scoped3A : memref<!tpu.dma_semaphore, #tpu.memory_space<semaphore_mem>>) src(%dma_wait3A_61 : memref<128xi32, #tpu.memory_space<hbm>>) dst(%arg8 : memref<128xi32, #tpu.memory_space<vmem>>)
        tpu.yield
      }) : () -> ()
      %scan3A_33 = arith.constant 0 : i32
      %scan3A_34 = arith.constant 8 : i32
      %scan3A_35 = arith.addi %scan3A_33, %scan3A_34 : i32
      %scan3A_36 = arith.constant 1 : i32
      scf.for %scan3A_58 = %scan3A_33 to %scan3A_35 step %scan3A_36  : i32 {
        %mul3A_59 = arith.constant 1 : i32
        %mul3A_60 = arith.muli %scan3A_58, %mul3A_59 : i32
        %add3A_61 = arith.constant 0 : i32
        %add3A_62 = arith.addi %add3A_61, %mul3A_60 : i32
        %mul3A_63 = arith.constant 16 : i32
        %mul3A_64 = arith.muli %add3A_62, %mul3A_63 : i32
        %get3A = arith.index_cast %mul3A_64 : i32 to index
        %get3A_65 = tpu.vector_load %arg7[%get3A] {strides = array<i32>} : memref<128xi32, #tpu.memory_space<vmem>>, vector<16xi32>,
        %mul3A_66 = arith.constant 2 : i32
        %mul3A_67 = vector.broadcast %mul3A_66 : i32 to vector<16xi32>
        %mul3A_68 = arith.muli %get3A_65, %mul3A_67 : vector<16xi32>
        %add3A_69 = vector.broadcast %arg0 : i32 to vector<16xi32>
        %add3A_70 = arith.addi %mul3A_68, %add3A_69 : vector<16xi32>
        %swap3A = arith.index_cast %mul3A_64 : i32 to index
        %swap3A_71 = tpu.vector_load %arg9[%swap3A] {strides = array<i32>} : memref<128xi32, #tpu.memory_space<vmem>>, vector<16xi32>,
        tpu.vector_store %arg9[%swap3A], %add3A_70 {strides = array<i32>} : memref<128xi32, #tpu.memory_space<vmem>>, vector<16xi32>,
        %get3A_72 = arith.index_cast %mul3A_64 : i32 to index
        %get3A_73 = tpu.vector_load %arg8[%get3A_72] {strides = array<i32>} : memref<128xi32, #tpu.memory_space<vmem>>, vector<16xi32>,
        %mul3A_74 = arith.constant 2 : i32
        %mul3A_75 = vector.broadcast %mul3A_74 : i32 to vector<16xi32>
        %mul3A_76 = arith.muli %get3A_73, %mul3A_75 : vector<16xi32>
        %add3A_77 = vector.broadcast %arg0 : i32 to vector<16xi32>
        %add3A_78 = arith.addi %mul3A_76, %add3A_77 : vector<16xi32>
        %swap3A_79 = arith.index_cast %mul3A_64 : i32 to index
        %swap3A_80 = tpu.vector_load %arg10[%swap3A_79] {strides = array<i32>} : memref<128xi32, #tpu.memory_space<vmem>>, vector<16xi32>,
        tpu.vector_store %arg10[%swap3A_79], %add3A_78 {strides = array<i32>} : memref<128xi32, #tpu.memory_space<vmem>>, vector<16xi32>,
      }
      %scan3A_37 = arith.constant 8 : i32
      %dma_start3A = arith.constant 0 : i32
      %dma_start3A_38 = arith.constant 0 : i32
      %dma_start3A_39 = tpu.memref_slice %arg2[%dma_start3A, %dma_start3A_38] : memref<100000x48xf32, #tpu.memory_space<hbm>> -> memref<100000x48xf32, #tpu.memory_space<hbm>>
      tpu.enqueue_indirect_dma source(%dma_start3A_39 : memref<100000x48xf32, #tpu.memory_space<hbm>>) target(%arg11 : memref<128x48xf32, #tpu.memory_space<vmem>>) offsets(%arg9 : memref<128xi32, #tpu.memory_space<vmem>>) semaphore(%arg19 : memref<!tpu.dma_semaphore, #tpu.memory_space<semaphore_mem>>)
      %dma_start3A_40 = arith.constant 0 : i32
      %dma_start3A_41 = arith.constant 0 : i32
      %dma_start3A_42 = tpu.memref_slice %arg2[%dma_start3A_40, %dma_start3A_41] : memref<100000x48xf32, #tpu.memory_space<hbm>> -> memref<100000x48xf32, #tpu.memory_space<hbm>>
      tpu.enqueue_indirect_dma source(%dma_start3A_42 : memref<100000x48xf32, #tpu.memory_space<hbm>>) target(%arg12 : memref<128x48xf32, #tpu.memory_space<vmem>>) offsets(%arg10 : memref<128xi32, #tpu.memory_space<vmem>>) semaphore(%arg20 : memref<!tpu.dma_semaphore, #tpu.memory_space<semaphore_mem>>)
      %dma_wait3A = arith.constant 0 : i32
      %dma_wait3A_43 = arith.constant 0 : i32
      %dma_wait3A_44 = tpu.memref_slice %arg2[%dma_wait3A, %dma_wait3A_43] : memref<100000x48xf32, #tpu.memory_space<hbm>> -> memref<100000x48xf32, #tpu.memory_space<hbm>>
      tpu.wait_indirect_dma semaphore(%arg19 : memref<!tpu.dma_semaphore, #tpu.memory_space<semaphore_mem>>) src(%dma_wait3A_44 : memref<100000x48xf32, #tpu.memory_space<hbm>>) dst(%arg11 : memref<128x48xf32, #tpu.memory_space<vmem>>)
      %dma_wait3A_45 = arith.constant 0 : i32
      %dma_wait3A_46 = arith.constant 0 : i32
      %dma_wait3A_47 = tpu.memref_slice %arg2[%dma_wait3A_45, %dma_wait3A_46] : memref<100000x48xf32, #tpu.memory_space<hbm>> -> memref<100000x48xf32, #tpu.memory_space<hbm>>
      tpu.wait_indirect_dma semaphore(%arg20 : memref<!tpu.dma_semaphore, #tpu.memory_space<semaphore_mem>>) src(%dma_wait3A_47 : memref<100000x48xf32, #tpu.memory_space<hbm>>) dst(%arg12 : memref<128x48xf32, #tpu.memory_space<vmem>>)
      %scan3A_48 = arith.constant 0 : i32
      %scan3A_49 = arith.constant 8 : i32
      %scan3A_50 = arith.addi %scan3A_48, %scan3A_49 : i32
      %scan3A_51 = arith.constant 1 : i32
      scf.for %scan3A_58 = %scan3A_48 to %scan3A_50 step %scan3A_51  : i32 {
        %mul3A_59 = arith.constant 1 : i32
        %mul3A_60 = arith.muli %scan3A_58, %mul3A_59 : i32
        %add3A_61 = arith.constant 0 : i32
        %add3A_62 = arith.addi %add3A_61, %mul3A_60 : i32
        %iota3A = tpu.iota {dimensions = array<i32: 0>} : vector<16xi32>
        %mul3A_63 = arith.constant 16 : i32
        %mul3A_64 = arith.muli %add3A_62, %mul3A_63 : i32
        %add3A_65 = vector.broadcast %mul3A_64 : i32 to vector<16xi32>
        %add3A_66 = arith.addi %iota3A, %add3A_65 : vector<16xi32>
        %broadcast_in_dim3A = arith.constant 32 : i32
        %broadcast_in_dim3A_67 = vector.broadcast %broadcast_in_dim3A : i32 to vector<16xi32>
        %broadcast_in_dim3A_68 = arith.constant 33 : i32
        %broadcast_in_dim3A_69 = vector.broadcast %broadcast_in_dim3A_68 : i32 to vector<16xi32>
        %gather3A = tpu.vector_load_idx %arg11[%add3A_66, %broadcast_in_dim3A_67] : memref<128x48xf32, #tpu.memory_space<vmem>>[vector<16xi32>, vector<16xi32>], vector<16xf32>,
        %gather3A_70 = tpu.vector_load_idx %arg11[%add3A_66, %broadcast_in_dim3A_69] : memref<128x48xf32, #tpu.memory_space<vmem>>[vector<16xi32>, vector<16xi32>], vector<16xf32>,
        %gather3A_71 = tpu.vector_load_idx %arg12[%add3A_66, %broadcast_in_dim3A_67] : memref<128x48xf32, #tpu.memory_space<vmem>>[vector<16xi32>, vector<16xi32>], vector<16xf32>,
        %gather3A_72 = tpu.vector_load_idx %arg12[%add3A_66, %broadcast_in_dim3A_69] : memref<128x48xf32, #tpu.memory_space<vmem>>[vector<16xi32>, vector<16xi32>], vector<16xf32>,
        %add3A_73 = arith.addf %gather3A, %gather3A_72 : vector<16xf32>
        %mul3A_74 = arith.constant 2.000000e+00 : f32
        %mul3A_75 = vector.broadcast %mul3A_74 : f32 to vector<16xf32>
        %mul3A_76 = arith.mulf %add3A_73, %mul3A_75 : vector<16xf32>
        %exp3A = math.exp %mul3A_76 : vector<16xf32>
        %add3A_77 = arith.constant 1.000000e+00 : f32
        %add3A_78 = vector.broadcast %add3A_77 : f32 to vector<16xf32>
        %add3A_79 = arith.addf %exp3A, %add3A_78 : vector<16xf32>
        %div3A_80 = arith.constant 2.000000e+00 : f32
        %div3A_81 = vector.broadcast %div3A_80 : f32 to vector<16xf32>
        %div3A_82 = arith.divf %div3A_81, %add3A_79 : vector<16xf32>
        %sub3A_83 = arith.constant 1.000000e+00 : f32
        %sub3A_84 = vector.broadcast %sub3A_83 : f32 to vector<16xf32>
        %sub3A_85 = arith.subf %sub3A_84, %div3A_82 : vector<16xf32>
        %add3A_86 = arith.addf %gather3A_71, %gather3A_70 : vector<16xf32>
        %mul3A_87 = arith.constant 2.000000e+00 : f32
        %mul3A_88 = vector.broadcast %mul3A_87 : f32 to vector<16xf32>
        %mul3A_89 = arith.mulf %add3A_86, %mul3A_88 : vector<16xf32>
        %exp3A_90 = math.exp %mul3A_89 : vector<16xf32>
        %add3A_91 = arith.constant 1.000000e+00 : f32
        %add3A_92 = vector.broadcast %add3A_91 : f32 to vector<16xf32>
        %add3A_93 = arith.addf %exp3A_90, %add3A_92 : vector<16xf32>
        %div3A_94 = arith.constant 2.000000e+00 : f32
        %div3A_95 = vector.broadcast %div3A_94 : f32 to vector<16xf32>
        %div3A_96 = arith.divf %div3A_95, %add3A_93 : vector<16xf32>
        %sub3A_97 = arith.constant 1.000000e+00 : f32
        %sub3A_98 = vector.broadcast %sub3A_97 : f32 to vector<16xf32>
        %sub3A_99 = arith.subf %sub3A_98, %div3A_96 : vector<16xf32>
        %mul3A_100 = arith.constant 16 : i32
        %mul3A_101 = arith.muli %add3A_62, %mul3A_100 : i32
        %mul3A_102 = arith.mulf %sub3A_85, %sub3A_99 : vector<16xf32>
        %swap3A = arith.index_cast %mul3A_101 : i32 to index
        %swap3A_103 = tpu.vector_load %arg15[%swap3A] {strides = array<i32>} : memref<128xf32, #tpu.memory_space<vmem>>, vector<16xf32>,
        tpu.vector_store %arg15[%swap3A], %mul3A_102 {strides = array<i32>} : memref<128xf32, #tpu.memory_space<vmem>>, vector<16xf32>,
        %mul3A_104 = arith.mulf %sub3A_85, %sub3A_85 : vector<16xf32>
        %swap3A_105 = arith.index_cast %mul3A_101 : i32 to index
        %swap3A_106 = tpu.vector_load %arg16[%swap3A_105] {strides = array<i32>} : memref<128xf32, #tpu.memory_space<vmem>>, vector<16xf32>,
        tpu.vector_store %arg16[%swap3A_105], %mul3A_104 {strides = array<i32>} : memref<128xf32, #tpu.memory_space<vmem>>, vector<16xf32>,
        %mul3A_107 = arith.mulf %sub3A_99, %sub3A_99 : vector<16xf32>
        %swap3A_108 = arith.index_cast %mul3A_101 : i32 to index
        %swap3A_109 = tpu.vector_load %arg17[%swap3A_108] {strides = array<i32>} : memref<128xf32, #tpu.memory_space<vmem>>, vector<16xf32>,
        tpu.vector_store %arg17[%swap3A_108], %mul3A_107 {strides = array<i32>} : memref<128xf32, #tpu.memory_space<vmem>>, vector<16xf32>,
      }
      %scan3A_52 = arith.constant 8 : i32
      %scan3A_53 = arith.constant 0 : i32
      %scan3A_54 = arith.constant 128 : i32
      %scan3A_55 = arith.addi %scan3A_53, %scan3A_54 : i32
      %scan3A_56 = arith.constant 1 : i32
      scf.for %scan3A_58 = %scan3A_53 to %scan3A_55 step %scan3A_56  : i32 {
        %mul3A_59 = arith.constant 1 : i32
        %mul3A_60 = arith.muli %scan3A_58, %mul3A_59 : i32
        %add3A_61 = arith.constant 0 : i32
        %add3A_62 = arith.addi %add3A_61, %mul3A_60 : i32
        %broadcast_in_dim3A = vector.broadcast %add3A_62 : i32 to vector<16xi32>
        %gather3A = tpu.vector_load_idx %arg15[%broadcast_in_dim3A] : memref<128xf32, #tpu.memory_space<vmem>>[vector<16xi32>], vector<16xf32>,
        %gather3A_63 = tpu.vector_load_idx %arg16[%broadcast_in_dim3A] : memref<128xf32, #tpu.memory_space<vmem>>[vector<16xi32>], vector<16xf32>,
        %gather3A_64 = tpu.vector_load_idx %arg17[%broadcast_in_dim3A] : memref<128xf32, #tpu.memory_space<vmem>>[vector<16xi32>], vector<16xf32>,
        %get3A = arith.index_cast %add3A_62 : i32 to index
        %get3A_65 = arith.constant 0 : index
        %get3A_66 = tpu.vector_load %arg11[%get3A, %get3A_65] {strides = array<i32>} : memref<128x48xf32, #tpu.memory_space<vmem>>, vector<16xf32>,
        %get3A_67 = arith.index_cast %add3A_62 : i32 to index
        %get3A_68 = arith.constant 16 : index
        %get3A_69 = tpu.vector_load %arg11[%get3A_67, %get3A_68] {strides = array<i32>} : memref<128x48xf32, #tpu.memory_space<vmem>>, vector<16xf32>,
        %get3A_70 = arith.index_cast %add3A_62 : i32 to index
        %get3A_71 = arith.constant 0 : index
        %get3A_72 = tpu.vector_load %arg12[%get3A_70, %get3A_71] {strides = array<i32>} : memref<128x48xf32, #tpu.memory_space<vmem>>, vector<16xf32>,
        %get3A_73 = arith.index_cast %add3A_62 : i32 to index
        %get3A_74 = arith.constant 16 : index
        %get3A_75 = tpu.vector_load %arg12[%get3A_73, %get3A_74] {strides = array<i32>} : memref<128x48xf32, #tpu.memory_space<vmem>>, vector<16xf32>,
        %mul3A_76 = arith.mulf %gather3A, %get3A_72 : vector<16xf32>
        %mul3A_77 = arith.mulf %gather3A_63, %get3A_66 : vector<16xf32>
        %sub3A_78 = arith.subf %mul3A_76, %mul3A_77 : vector<16xf32>
        %swap3A = arith.constant 0 : i32
        %swap3A_79 = arith.index_cast %add3A_62 : i32 to index
        %swap3A_80 = arith.index_cast %swap3A : i32 to index
        %swap3A_81 = arith.constant 0 : index
        %swap3A_82 = tpu.vector_load %arg13[%swap3A_79, %swap3A_80, %swap3A_81] {strides = array<i32>} : memref<128x1x32xf32, #tpu.memory_space<vmem>>, vector<16xf32>,
        tpu.vector_store %arg13[%swap3A_79, %swap3A_80, %swap3A_81], %sub3A_78 {strides = array<i32>} : memref<128x1x32xf32, #tpu.memory_space<vmem>>, vector<16xf32>,
        %mul3A_83 = arith.mulf %gather3A, %get3A_75 : vector<16xf32>
        %mul3A_84 = arith.mulf %gather3A_63, %get3A_69 : vector<16xf32>
        %sub3A_85 = arith.subf %mul3A_83, %mul3A_84 : vector<16xf32>
        %swap3A_86 = arith.constant 0 : i32
        %swap3A_87 = arith.index_cast %add3A_62 : i32 to index
        %swap3A_88 = arith.index_cast %swap3A_86 : i32 to index
        %swap3A_89 = arith.constant 16 : index
        %swap3A_90 = tpu.vector_load %arg13[%swap3A_87, %swap3A_88, %swap3A_89] {strides = array<i32>} : memref<128x1x32xf32, #tpu.memory_space<vmem>>, vector<16xf32>,
        tpu.vector_store %arg13[%swap3A_87, %swap3A_88, %swap3A_89], %sub3A_85 {strides = array<i32>} : memref<128x1x32xf32, #tpu.memory_space<vmem>>, vector<16xf32>,
        %mul3A_91 = arith.mulf %gather3A, %get3A_66 : vector<16xf32>
        %mul3A_92 = arith.mulf %gather3A_64, %get3A_72 : vector<16xf32>
        %sub3A_93 = arith.subf %mul3A_91, %mul3A_92 : vector<16xf32>
        %swap3A_94 = arith.constant 0 : i32
        %swap3A_95 = arith.index_cast %add3A_62 : i32 to index
        %swap3A_96 = arith.index_cast %swap3A_94 : i32 to index
        %swap3A_97 = arith.constant 0 : index
        %swap3A_98 = tpu.vector_load %arg14[%swap3A_95, %swap3A_96, %swap3A_97] {strides = array<i32>} : memref<128x1x32xf32, #tpu.memory_space<vmem>>, vector<16xf32>,
        tpu.vector_store %arg14[%swap3A_95, %swap3A_96, %swap3A_97], %sub3A_93 {strides = array<i32>} : memref<128x1x32xf32, #tpu.memory_space<vmem>>, vector<16xf32>,
        %mul3A_99 = arith.mulf %gather3A, %get3A_69 : vector<16xf32>
        %mul3A_100 = arith.mulf %gather3A_64, %get3A_75 : vector<16xf32>
        %sub3A_101 = arith.subf %mul3A_99, %mul3A_100 : vector<16xf32>
        %swap3A_102 = arith.constant 0 : i32
        %swap3A_103 = arith.index_cast %add3A_62 : i32 to index
        %swap3A_104 = arith.index_cast %swap3A_102 : i32 to index
        %swap3A_105 = arith.constant 16 : index
        %swap3A_106 = tpu.vector_load %arg14[%swap3A_103, %swap3A_104, %swap3A_105] {strides = array<i32>} : memref<128x1x32xf32, #tpu.memory_space<vmem>>, vector<16xf32>,
        tpu.vector_store %arg14[%swap3A_103, %swap3A_104, %swap3A_105], %sub3A_101 {strides = array<i32>} : memref<128x1x32xf32, #tpu.memory_space<vmem>>, vector<16xf32>,
      }
      %scan3A_57 = arith.constant 128 : i32
      "tpu.region"() ({
        %run_scoped3A = tpu.sem_alloc : memref<!tpu.dma_semaphore, #tpu.memory_space<semaphore_mem>>
        %dma_start3A_58 = arith.constant 0 : i32
        %dma_start3A_59 = arith.constant 0 : i32
        %dma_start3A_60 = arith.constant 0 : i32
        %dma_start3A_61 = tpu.memref_slice %arg6[%dma_start3A_58, %dma_start3A_59, %dma_start3A_60] : memref<50000x1x32xf32, #tpu.memory_space<vmem_shared>> -> memref<50000x1x32xf32, #tpu.memory_space<vmem_shared>>
        tpu.enqueue_indirect_dma source(%arg13 : memref<128x1x32xf32, #tpu.memory_space<vmem>>) target(%dma_start3A_61 : memref<50000x1x32xf32, #tpu.memory_space<vmem_shared>>) offsets(%arg7 : memref<128xi32, #tpu.memory_space<vmem>>) semaphore(%run_scoped3A : memref<!tpu.dma_semaphore, #tpu.memory_space<semaphore_mem>>) {add = true}
        %dma_wait3A_62 = arith.constant 0 : i32
        %dma_wait3A_63 = arith.constant 0 : i32
        %dma_wait3A_64 = arith.constant 0 : i32
        %dma_wait3A_65 = tpu.memref_slice %arg6[%dma_wait3A_62, %dma_wait3A_63, %dma_wait3A_64] : memref<50000x1x32xf32, #tpu.memory_space<vmem_shared>> -> memref<50000x1x32xf32, #tpu.memory_space<vmem_shared>>
        tpu.wait_indirect_dma semaphore(%run_scoped3A : memref<!tpu.dma_semaphore, #tpu.memory_space<semaphore_mem>>) src(%arg13 : memref<128x1x32xf32, #tpu.memory_space<vmem>>) dst(%dma_wait3A_65 : memref<50000x1x32xf32, #tpu.memory_space<vmem_shared>>)
        tpu.yield
      }) : () -> ()
      "tpu.region"() ({
        %run_scoped3A = tpu.sem_alloc : memref<!tpu.dma_semaphore, #tpu.memory_space<semaphore_mem>>
        %dma_start3A_58 = arith.constant 0 : i32
        %dma_start3A_59 = arith.constant 0 : i32
        %dma_start3A_60 = arith.constant 0 : i32
        %dma_start3A_61 = tpu.memref_slice %arg6[%dma_start3A_58, %dma_start3A_59, %dma_start3A_60] : memref<50000x1x32xf32, #tpu.memory_space<vmem_shared>> -> memref<50000x1x32xf32, #tpu.memory_space<vmem_shared>>
        tpu.enqueue_indirect_dma source(%arg14 : memref<128x1x32xf32, #tpu.memory_space<vmem>>) target(%dma_start3A_61 : memref<50000x1x32xf32, #tpu.memory_space<vmem_shared>>) offsets(%arg8 : memref<128xi32, #tpu.memory_space<vmem>>) semaphore(%run_scoped3A : memref<!tpu.dma_semaphore, #tpu.memory_space<semaphore_mem>>) {add = true}
        %dma_wait3A_62 = arith.constant 0 : i32
        %dma_wait3A_63 = arith.constant 0 : i32
        %dma_wait3A_64 = arith.constant 0 : i32
        %dma_wait3A_65 = tpu.memref_slice %arg6[%dma_wait3A_62, %dma_wait3A_63, %dma_wait3A_64] : memref<50000x1x32xf32, #tpu.memory_space<vmem_shared>> -> memref<50000x1x32xf32, #tpu.memory_space<vmem_shared>>
        tpu.wait_indirect_dma semaphore(%run_scoped3A : memref<!tpu.dma_semaphore, #tpu.memory_space<semaphore_mem>>) src(%arg14 : memref<128x1x32xf32, #tpu.memory_space<vmem>>) dst(%dma_wait3A_65 : memref<50000x1x32xf32, #tpu.memory_space<vmem_shared>>)
        tpu.yield
      }) : () -> ()
    }
    %barrier3A_23 = arith.constant 0 : index
    tpu.barrier barrier_id(%barrier3A_23)
    %scan3A_24 = arith.constant 0 : i32
    %scan3A_25 = arith.constant 5 : i32
    %scan3A_26 = arith.addi %scan3A_24, %scan3A_25 : i32
    %scan3A_27 = arith.constant 1 : i32
    scf.for %scan3A_29 = %scan3A_24 to %scan3A_26 step %scan3A_27  : i32 {
      %mul3A = arith.constant 1 : i32
      %mul3A_30 = arith.muli %scan3A_29, %mul3A : i32
      %add3A_31 = arith.constant 0 : i32
      %add3A_32 = arith.addi %add3A_31, %mul3A_30 : i32
      %mul3A_33 = arith.constant 3125 : i32
      %mul3A_34 = arith.muli %arg1, %mul3A_33 : i32
      %mul3A_35 = arith.constant 625 : i32
      %mul3A_36 = arith.muli %add3A_32, %mul3A_35 : i32
      %add3A_37 = arith.addi %mul3A_34, %mul3A_36 : i32
      "tpu.region"() ({
        %run_scoped3A = tpu.sem_alloc : memref<!tpu.dma_semaphore, #tpu.memory_space<semaphore_mem>>
        %dma_start3A = arith.constant 0 : i32
        %dma_start3A_38 = tpu.memref_slice %arg5[%add3A_37, %arg0, %dma_start3A] : memref<50000x2x32xf32, #tpu.memory_space<hbm>> -> memref<625x1x32xf32, #tpu.memory_space<hbm>>
        %dma_start3A_39 = arith.constant 0 : i32
        %dma_start3A_40 = arith.constant 0 : i32
        %dma_start3A_41 = tpu.memref_slice %arg6[%add3A_37, %dma_start3A_39, %dma_start3A_40] : memref<50000x1x32xf32, #tpu.memory_space<vmem_shared>> -> memref<625x1x32xf32, #tpu.memory_space<vmem_shared>>
        tpu.enqueue_dma source(%dma_start3A_41 : memref<625x1x32xf32, #tpu.memory_space<vmem_shared>>) target(%dma_start3A_38 : memref<625x1x32xf32, #tpu.memory_space<hbm>>) target_semaphore(%run_scoped3A : memref<!tpu.dma_semaphore, #tpu.memory_space<semaphore_mem>>)
        %dma_wait3A = arith.constant 0 : i32
        %dma_wait3A_42 = tpu.memref_slice %arg5[%add3A_37, %arg0, %dma_wait3A] : memref<50000x2x32xf32, #tpu.memory_space<hbm>> -> memref<625x1x32xf32, #tpu.memory_space<hbm>>
        %dma_wait3A_43 = arith.constant 0 : i32
        %dma_wait3A_44 = arith.constant 0 : i32
        %dma_wait3A_45 = tpu.memref_slice %arg6[%add3A_37, %dma_wait3A_43, %dma_wait3A_44] : memref<50000x1x32xf32, #tpu.memory_space<vmem_shared>> -> memref<625x1x32xf32, #tpu.memory_space<vmem_shared>>
        tpu.wait_dma2 semaphore(%run_scoped3A : memref<!tpu.dma_semaphore, #tpu.memory_space<semaphore_mem>>) src(%dma_wait3A_45 : memref<625x1x32xf32, #tpu.memory_space<vmem_shared>>) dst(%dma_wait3A_42 : memref<625x1x32xf32, #tpu.memory_space<hbm>>)
        tpu.yield
      }) : () -> ()
    }
    %scan3A_28 = arith.constant 5 : i32
    return
  }
}

module attributes {stable_mosaic.version = 14 : i64} {
  func.func @_aug_body(%arg0: i32, %arg1: memref<1000x2x32xf32, #tpu.memory_space<vmem>>, %arg2: memref<128x2xf32, #tpu.memory_space<vmem>>, %arg3: memref<1000x2x48xf32, #tpu.memory_space<vmem>>) attributes {dimension_semantics = [#tpu.dimension_semantics<arbitrary>], iteration_bounds = array<i64: 50>, scalar_prefetch = 0 : i64, scratch_operands = 0 : i64, tpu.core_type = #tpu.core_type<tc>, window_params = [{transform_indices = @transform_0, window_bounds = array<i64: 1000, 2, 32>}, {pipeline_mode = #tpu.pipeline_mode<synchronous>, transform_indices = @transform_1, window_bounds = array<i64: 128, 2>}, {transform_indices = @transform_2, window_bounds = array<i64: 1000, 2, 48>}]} {
    %get3A = arith.constant 0 : index
    %get3A_0 = arith.constant 0 : index
    %get3A_1 = arith.constant 0 : index
    %get3A_2 = vector.load %arg1[%get3A, %get3A_0, %get3A_1] : memref<1000x2x32xf32, #tpu.memory_space<vmem>>, vector<1000x2x32xf32>
    %get3A_3 = arith.constant 0 : index
    %get3A_4 = arith.constant 0 : index
    %get3A_5 = vector.load %arg2[%get3A_3, %get3A_4] : memref<128x2xf32, #tpu.memory_space<vmem>>, vector<128x2xf32>
    %slice3A = vector.extract_strided_slice %get3A_2 {offsets = [0, 0, 0], sizes = [1000, 1, 32], strides = [1, 1, 1]} : vector<1000x2x32xf32> to vector<1000x1x32xf32>
    %squeeze3A = vector.shape_cast %slice3A : vector<1000x1x32xf32> to vector<1000x32xf32>
    %slice3A_6 = vector.extract_strided_slice %get3A_2 {offsets = [0, 1, 0], sizes = [1000, 1, 32], strides = [1, 1, 1]} : vector<1000x2x32xf32> to vector<1000x1x32xf32>
    %squeeze3A_7 = vector.shape_cast %slice3A_6 : vector<1000x1x32xf32> to vector<1000x32xf32>
    %slice3A_8 = vector.extract_strided_slice %get3A_5 {offsets = [0, 0], sizes = [32, 2], strides = [1, 1]} : vector<128x2xf32> to vector<32x2xf32>
    %dot_general3A = arith.constant dense<0.000000e+00> : vector<1000x2xf32>
    %dot_general3A_9 = tpu.matmul %squeeze3A, %slice3A_8, %dot_general3A {dimension_numbers = #tpu.dot_dimension_numbers<[1], [0], [0], [1], [0, 0, 1, 1], [], []>, transpose_lhs_hint = false} : vector<1000x32xf32>, vector<32x2xf32>, vector<1000x2xf32> -> vector<1000x2xf32>
    %slice3A_10 = vector.extract_strided_slice %get3A_5 {offsets = [32, 0], sizes = [32, 2], strides = [1, 1]} : vector<128x2xf32> to vector<32x2xf32>
    %dot_general3A_11 = arith.constant dense<0.000000e+00> : vector<1000x2xf32>
    %dot_general3A_12 = tpu.matmul %squeeze3A_7, %slice3A_10, %dot_general3A_11 {dimension_numbers = #tpu.dot_dimension_numbers<[1], [0], [0], [1], [0, 0, 1, 1], [], []>, transpose_lhs_hint = false} : vector<1000x32xf32>, vector<32x2xf32>, vector<1000x2xf32> -> vector<1000x2xf32>
    %add3A = arith.addf %dot_general3A_9, %dot_general3A_12 : vector<1000x2xf32>
    %slice3A_13 = vector.extract_strided_slice %get3A_5 {offsets = [64, 0], sizes = [32, 2], strides = [1, 1]} : vector<128x2xf32> to vector<32x2xf32>
    %dot_general3A_14 = arith.constant dense<0.000000e+00> : vector<1000x2xf32>
    %dot_general3A_15 = tpu.matmul %squeeze3A, %slice3A_13, %dot_general3A_14 {dimension_numbers = #tpu.dot_dimension_numbers<[1], [0], [0], [1], [0, 0, 1, 1], [], []>, transpose_lhs_hint = false} : vector<1000x32xf32>, vector<32x2xf32>, vector<1000x2xf32> -> vector<1000x2xf32>
    %slice3A_16 = vector.extract_strided_slice %get3A_5 {offsets = [96, 0], sizes = [32, 2], strides = [1, 1]} : vector<128x2xf32> to vector<32x2xf32>
    %dot_general3A_17 = arith.constant dense<0.000000e+00> : vector<1000x2xf32>
    %dot_general3A_18 = tpu.matmul %squeeze3A_7, %slice3A_16, %dot_general3A_17 {dimension_numbers = #tpu.dot_dimension_numbers<[1], [0], [0], [1], [0, 0, 1, 1], [], []>, transpose_lhs_hint = false} : vector<1000x32xf32>, vector<32x2xf32>, vector<1000x2xf32> -> vector<1000x2xf32>
    %add3A_19 = arith.addf %dot_general3A_15, %dot_general3A_18 : vector<1000x2xf32>
    %broadcast_in_dim3A = vector.shape_cast %add3A : vector<1000x2xf32> to vector<1000x2x1xf32>
    %broadcast_in_dim3A_20 = vector.shape_cast %add3A_19 : vector<1000x2xf32> to vector<1000x2x1xf32>
    %broadcast_in_dim3A_21 = arith.constant 0.000000e+00 : f32
    %broadcast_in_dim3A_22 = vector.broadcast %broadcast_in_dim3A_21 : f32 to vector<1000x2x14xf32>
    %concatenate3A = tpu.concatenate %get3A_2, %broadcast_in_dim3A, %broadcast_in_dim3A_20, %broadcast_in_dim3A_22 in 2 : vector<1000x2x32xf32>, vector<1000x2x1xf32>, vector<1000x2x1xf32>, vector<1000x2x14xf32> -> vector<1000x2x48xf32>
    %swap3A = arith.constant 0 : index
    %swap3A_23 = arith.constant 0 : index
    %swap3A_24 = arith.constant 0 : index
    %swap3A_25 = vector.load %arg3[%swap3A, %swap3A_23, %swap3A_24] : memref<1000x2x48xf32, #tpu.memory_space<vmem>>, vector<1000x2x48xf32>
    tpu.vector_store %arg3[%swap3A, %swap3A_23, %swap3A_24], %concatenate3A {strides = array<i32>} : memref<1000x2x48xf32, #tpu.memory_space<vmem>>, vector<1000x2x48xf32>,
    return
  }
  func.func @transform_0(%arg0: i32) -> (i32, i32, i32) {
    %c0_i32 = arith.constant 0 : i32
    %c0_i32_0 = arith.constant 0 : i32
    %c0_i32_1 = arith.constant 0 : i32
    return %arg0, %c0_i32, %c0_i32_0 : i32, i32, i32
  }
  func.func @transform_1(%arg0: i32) -> (i32, i32) {
    %c0_i32 = arith.constant 0 : i32
    %c0_i32_0 = arith.constant 0 : i32
    %c0_i32_1 = arith.constant 0 : i32
    return %c0_i32, %c0_i32_0 : i32, i32
  }
  func.func @transform_2(%arg0: i32) -> (i32, i32, i32) {
    %c0_i32 = arith.constant 0 : i32
    %c0_i32_0 = arith.constant 0 : i32
    %c0_i32_1 = arith.constant 0 : i32
    return %arg0, %c0_i32, %c0_i32_0 : i32, i32, i32
  }
}

</mosaic_0001>

<sc_bundles>
// kernel: kernel.4.cloned.1.call-start
scs
__scs_entry_jumppad:
0x0: {  	(pc) =	sbr.rel $0x88, $3  }
0x1: {  	(tag) =	ssettag $0x0;
	lr =	simm.s32 $0x1  }
0x2: {  	[smem:$0x3F9E] =	sst lr;
	_ =	strace $0xD0000000  }
0x3: {  	_ = 	snop  }
0x4: {  	_ = 	snop  }
0x5: {  	_ = 	snop  }
0x6: {  	_ = 	snop  }
0x7: {  	_ = 	snop  }
__scs_overlays_trampoline_lowered:
0x8: {  	[smem:$0x3FAD] =	sst s0  }
0x9: {  	[smem:$0x3FAE] =	sst s1  }
0xa: {  	[smem:$0x3FAF] =	sst s2  }
0xb: {  	[smem:$0x3FB0] =	sst s3  }
0xc: {  	[smem:$0x3FB1] =	sst s4  }
0xd: {  	[smem:$0x3FB2] =	sst s5  }
0xe: {  	[smem:$0x3FB3] =	sst s6  }
0xf: {  	[smem:$0x3FB4] =	sst s7  }
0x10: {  	[smem:$0x3FB5] =	sst s8  }
0x11: {  	[smem:$0x3FB6] =	sst s9;
	s0 =	simm.s32 @!p0 $0x0  }
0x12: {  	s1 =	sld [smem:$0x3F9C];
	s0 =	simm.s32 @p0 $0x1  }
0x13: {  	[smem:$0x3FB7] =	sst s0;
	s0 =	simm.s32 @!p1 $0x0  }
0x14: {  	s2 =	sld [smem:$0x3F9B];
	s0 =	simm.s32 @p1 $0x1  }
0x15: {  	[smem:$0x3FB8] =	sst s0;
	s0 =	simm.s32 @!p2 $0x0  }
0x16: {  	s3 =	sld [smem:$0x3FDB];
	s0 =	simm.s32 @p2 $0x1  }
0x17: {  	s4 =	simm.s32 $0x1BF5;
	[smem:$0x3FBA] =	sst s0  }
0x18: {  	s0 =	sld [smem:$0x3F9D];
	_ =	swait.ge [sflag:s4], $0x0  }
0x19: {  	s7 =	sld [smem:$0x3F9E]  }
0x1a: {  	s8 =	sadd.s32 $0xFFFFE003, lr  }
0x1b: {  	s9 =	sadd.s32 $0xFFFFFEF7, lr;
	s5 =	simm.s32 $0xFFFFFFFF;
	p2 =	slt.u32 s8, $0xFFFFF086  }
0x1c: {  	p1 =	slt.u32 s9, $0xF7A;
	s5 =	simm.s32 @!p2 $0x0  }
0x1d: {  	s5 =	simm.s32 @p1 $0x1;
	p0 =	seq.s32 s7, s2  }
0x1e: {  	s7 =	smul.u32 @!p0 $0xF7A, s2;
	p2 =	seq.s32 @!p0 s5, $0x0  }
0x1f: {  	s9 =	smul.u32 $0xF7A, s1;
	s8 =	simm.s32 @!p0 $0x1BF5;
	p2 =	por !p2, p0  }
0x20: {  	[sflag:s8] =	ssyncset.s32 @!p0 $0xFFFFF086;
	s6 =	sadd.s32 @!p0 s3, s7;
	s7 =	simm.s32 @!p0 $0x108  }
0x21: {  	s3 =	sadd.s32 s3, s9;
	s6 =	sadd.s32 @!p0 $0x88, s6;
	s7 =	simm.s32 @p2 $0x1082  }
0x22: {  	[simem:s7], [sflag:s8] =	dma.local @!p0 [hbm:s6], $0xF7A  }
0x23: {  	s9 =	sor.u32 $0xD0000000, s2;
	s6 =	simm.s32 $0x108;
	_ =	swait.ge @!p0 [sflag:s8], $0x0  }
0x24: {  	s3 =	sadd.s32 $0x88, s3;
	s6 =	simm.s32 @!p1 $0x1082;
	[sflag:s4] =	ssyncset.s32 $0xFFFFF086  }
0x25: {  	[simem:s6], [sflag:s4] =	dma.local [hbm:s3], $0xF7A  }
0x26: {  	[smem:$0x3F9E] =	sst s1;
	(tag) =	ssettag s2;
	_ =	strace s9  }
0x27: {  	s1 =	sld [smem:$0x3FAE]  }
0x28: {  	s2 =	sld [smem:$0x3FAF]  }
0x29: {  	s4 =	sld [smem:$0x3FB1]  }
0x2a: {  	p0 =	seq.s32 s5, $0x0;
	s5 =	sld [smem:$0x3FB2]  }
0x2b: {  	s6 =	sld [smem:$0x3FB3]  }
0x2c: {  	s7 =	sld [smem:$0x3FB4]  }
0x2d: {  	s3 =	simm.s32 $0x108;
	s8 =	sld [smem:$0x3FB5]  }
0x2e: {  	s3 =	simm.s32 @!p0 $0x1082;
	s9 =	sld [smem:$0x3FB6]  }
0x2f: {  	lr =	sadd.s32 s0, s3;
	s0 =	sld [smem:$0x3FAD]  }
0x30: {  	s3 =	sld [smem:$0x3FB0]  }
0x31: {  	[smem:$0x3FB9] =	sst s10  }
0x32: {  	s10 =	sld [smem:$0x3FB7];
	_ =	sdelay $0x3  }
0x33: {  	p0 =	seq.s32 s10, $0x1;
	s10 =	sld [smem:$0x3FB9];
	_ =	sdelay $0x3  }
0x34: {  	[smem:$0x3FB9] =	sst s10  }
0x35: {  	s10 =	sld [smem:$0x3FB8];
	_ =	sdelay $0x3  }
0x36: {  	p1 =	seq.s32 s10, $0x1;
	s10 =	sld [smem:$0x3FB9];
	_ =	sdelay $0x3  }
0x37: {  	[smem:$0x3FB9] =	sst s10  }
0x38: {  	s10 =	sld [smem:$0x3FBA]  }
0x39: {  	_ = 	snop;
	(pc) =	sbr.ind lr, $3  }
0x3a: {  	_ = 	snop  }
0x3b: {  	_ = 	snop  }
0x3c: {  	p2 =	seq.s32 s10, $0x1;
	s10 =	sld [smem:$0x3FB9]  }
0x3d: {  	_ =	shalt  }
0x3e: {  	_ =	shalt  }
0x3f: {  	_ =	shalt  }
0x40: {  	_ =	shalt  }
0x41: {  	_ =	shalt  }
0x42: {  	_ =	shalt  }
0x43: {  	_ =	shalt  }
0x44: {  	_ =	shalt  }
0x45: {  	_ =	shalt  }
0x46: {  	_ =	shalt  }
0x47: {  	_ =	shalt  }
0x48: {  	_ =	shalt  }
0x49: {  	_ =	shalt  }
0x4a: {  	_ =	shalt  }
0x4b: {  	_ =	shalt  }
0x4c: {  	_ =	shalt  }
0x4d: {  	_ =	shalt  }
0x4e: {  	_ =	shalt  }
0x4f: {  	_ =	shalt  }
0x50: {  	_ =	shalt  }
0x51: {  	_ =	shalt  }
0x52: {  	_ =	shalt  }
0x53: {  	_ =	shalt  }
0x54: {  	_ =	shalt  }
0x55: {  	_ =	shalt  }
0x56: {  	_ =	shalt  }
0x57: {  	_ =	shalt  }
0x58: {  	_ =	shalt  }
0x59: {  	_ =	shalt  }
0x5a: {  	_ =	shalt  }
0x5b: {  	_ =	shalt  }
0x5c: {  	_ =	shalt  }
0x5d: {  	_ =	shalt  }
0x5e: {  	_ =	shalt  }
0x5f: {  	_ =	shalt  }
0x60: {  	_ =	shalt  }
0x61: {  	_ =	shalt  }
0x62: {  	_ =	shalt  }
0x63: {  	_ =	shalt  }
0x64: {  	_ =	shalt  }
0x65: {  	_ =	shalt  }
0x66: {  	_ =	shalt  }
0x67: {  	_ =	shalt  }
0x68: {  	_ =	shalt  }
0x69: {  	_ =	shalt  }
0x6a: {  	_ =	shalt  }
0x6b: {  	_ =	shalt  }
0x6c: {  	_ =	shalt  }
0x6d: {  	_ =	shalt  }
0x6e: {  	_ =	shalt  }
0x6f: {  	_ =	shalt  }
0x70: {  	_ =	shalt  }
0x71: {  	_ =	shalt  }
0x72: {  	_ =	shalt  }
0x73: {  	_ =	shalt  }
0x74: {  	_ =	shalt  }
0x75: {  	_ =	shalt  }
0x76: {  	_ =	shalt  }
0x77: {  	_ =	shalt  }
0x78: {  	_ =	shalt  }
0x79: {  	_ =	shalt  }
0x7a: {  	_ =	shalt  }
0x7b: {  	_ =	shalt  }
0x7c: {  	_ =	shalt  }
0x7d: {  	_ =	shalt  }
0x7e: {  	_ =	shalt  }
0x7f: {  	_ =	shalt  }
0x80: {  	_ =	shalt  }
0x81: {  	_ =	shalt  }
0x82: {  	_ =	shalt  }
0x83: {  	_ =	shalt  }
0x84: {  	_ =	shalt  }
0x85: {  	_ =	shalt  }
0x86: {  	_ =	shalt  }
0x87: {  	_ =	shalt  }
.Lfunc_end0:
.L_simem_size_0:
called_computation_lowered:
.L_overlay_start_0:
0x88: {  	s2 =	sld [smem:$0x3FD9]  }
0x89: {  	s3 =	sld [smem:$0x3FFE];
	_ =	sdelay $0x1  }
0x8a: {  	s1 =	srdreg.scid  }
0x8b: {  	s0 =	sand.u32 $0x1, s1  }
0x8c: {  	s17 =	sshll.u32 s0, $0xA;
	s2 =	sadd.s32 s3, s2  }
0x8d: {  	s2 =	sadd.s32 s2, s17  }
0x8e: {  	[smem:$0x3FC5] =	sst s2  }
0x8f: {  	_ = 	snop  }
0x90: {  	s2 =	sld [smem:$0x3FD0];
	(tm) =	ssettm $0x1  }
0x91: {  	s18 =	sld [smem:$0x3FFB];
	_ =	sdelay $0x3  }
0x92: {  	_ =	strace s18  }
0x93: {  	s3 =	sld [smem:$0x3FFC];
	_ =	sdelay $0x3  }
0x94: {  	_ =	strace s3  }
0x95: {  	s3 =	sld [smem:$0x3FFD];
	_ =	sdelay $0x3  }
0x96: {  	_ =	strace s3  }
0x97: {  	_ =	strace $0x8FFFFFFF  }
0x98: {  	s19 =	sld [smem:$0x3FDB];
	_ =	sdelay $0x1  }
0x99: {  	s4 =	simm.s32 $_scs_section_size  }
0x9a: {  	s5 =	simm.s32 $_size__tile_overlayer_lowered;
	s6 =	simm.s32 $_tile_overlayer_lowered  }
0x9b: {  	s22 =	simm.s32 $0x1BFF;
	s21 =	sshll.u32 s6, $0x1;
	s3 =	sadd.s32 s4, s19  }
0x9c: {  	s7 =	simm.s32 $0x0;
	s20 =	sshll.u32 s5, $0x1;
	s5 =	sadd.s32 s21, s3  }
0x9d: {  	[timem:s7], [sflag:s22] =	dma.local [hbm:s5], s20  }
0x9e: {  	_ =	swait.ge [sflag:s22], s20  }
0x9f: {  	s4 =	ssub.s32 $0x0, s20;
	[sflag:s22] =	ssyncset.done $0x0  }
0xa0: {  	[sflag:s22] =	ssyncadd.s32 s4;
	_ =	sdelay $0x1  }
0xa1: {  	s23 =	simm.s32 $0x1B8B  }
0xa2: {  	_ =	swait.ge [sflag:s23], $0x1  }
0xa3: {  	[sflag:s23] =	ssyncset.done $0x0  }
0xa4: {  	s25 =	simm.s32 $0x1B8E;
	s24 =	sld [smem:$0x3FFE];
	[sflag:s23] =	ssyncadd.s32 $0xFFFFFFFF  }
0xa5: {  	s26 =	simm.s32 $execute0_lowered;
	[smem:$0x3FD2] =	sst s25  }
0xa6: {  	s5 =	sshll.u32 s26, $0x1;
	_ =	strace $0x80000046;
	[dreg:$0x1] =	wrdreg $0xFFFFFFFF  }
0xa7: {  	s28 =	simm.s32 $_size_execute0_lowered;
	s3 =	sadd.s32 s3, s5;
	[dreg:$0x0] =	wrdreg $0x0  }
0xa8: {  	s5 =	sshll.u32 s28, $0x1;
	[dreg:$0x2] =	wrdreg s3  }
0xa9: {  	[dreg:$0x3] =	wrdreg s5  }
0xaa: {  	[dreg:$0x4] =	wrdreg $0xC0  }
0xab: {  	_ =	task [dreg:s7], $0x5FFFF  }
0xac: {  	[dreg:$0x1] =	wrdreg $0xFFFFFFFF  }
0xad: {  	[dreg:$0x0] =	wrdreg $0x60  }
0xae: {  	[dreg:$0x2] =	wrdreg s24  }
0xaf: {  	[dreg:$0x3] =	wrdreg s2  }
0xb0: {  	[dreg:$0x4] =	wrdreg $0x0  }
0xb1: {  	[dreg:$0x5] =	wrdreg $0x9  }
0xb2: {  	_ =	task.clear_ibuf [dreg:s7], $0x6FFFF;
	_ =	strace $0x90000046  }
0xb3: {  	s29 =	simm.s32 $0x9;
	_ =	strace $0x80000048  }
0xb4: {  	_ =	swait.ge [sflag:s29], $0x1  }
0xb5: {  	[sflag:s29] =	ssyncadd.s32 $0xFFFFFFFF  }
0xb6: {  	_ =	strace $0x90000048  }
0xb7: {  	_ =	sfence  }
0xb8: {  	s30 =	sld [smem:$0x0];
	_ =	sdelay $0x2  }
0xb9: {  	s31 =	sshll.u32 s1, $0xD;
	s1 =	sshrl.u32 s1, $0x2  }
0xba: {  	s3 =	sand.u32 $0x4000, s31;
	s1 =	sadd.s32 s1, s30  }
0xbb: {  	s0 =	sor.u32 s3, s0;
	s1 =	sshll.u32 s1, $0x11  }
0xbc: {  	s0 =	sor.u32 s1, s0  }
0xbd: {  	s0 =	sadd.s32 $0x8F2B, s0  }
0xbe: {  	[sflag:s0] =	ssyncadd.remote.s32 $0x1  }
0xbf: {  	_ =	sfence.sel $0xFFFF  }
0xc0: {  	[dreg:$0x0] =	wrdreg $0xFFFFFFFF;
	(pc) =	sbr.abs _section_cstart, $3  }
0xc1: {  	[dreg:$0x1] =	wrdreg $0xFFFFFFFF  }
0xc2: {  	_ =	task.clear_ibuf [dreg:s7], $0x2FFFF;
	_ =	strace $0x9FFFFFFF  }
0xc3: {  	(tm) =	ssettm $0x7FFFFFFF  }
tec
execute0_lowered:
.L_overlay_start_1:
0x0: {  	(tag) =	ssettag $0x1  }
0x1: {  	s0 =	rddreg [dreg:$0x0]  }
0x2: {  	s2 =	rddreg [dreg:$0x1]  }
0x3: {  	s1 =	rddreg [dreg:$0x2]  }
0x4: {  	s14 =	simm.s32 $0x0;
	s3 =	srdreg.scid;
	s12 =	stileid.u32  }
0x5: {  	s16 =	simm.s32 $0x1DA20;
	s17 =	simm.s32 $0x3;
	s18 =	simm.s32 $0x186A0  }
0x6: {  	s29 =	simm.s32 $0x1A0A0;
	s30 =	simm.s32 $0x1;
	s31 =	simm.s32 $0x2  }
0x7: {  	[smem:$0x7FF] =	sst s14;
	s4 =	sadd.s32 $0x600, s0;
	s9 =	smul.u32 $0xC35, s12  }
0x8: {  	s3 =	sand.u32 $0x1, s3;
	s5 =	sadd.s32 $0xAB600, s0;
	s10 =	smul.u32 $0x61A8, s12  }
0x9: {  	s6 =	sadd.s32 $0x92E00, s0;
	s8 =	ssub.s32 $0x1879, s12;
	s11 =	smul.u32 $0x61A80, s12  }
0xa: {  	v0 =	vlaneseq.u32;
	_ =	strace $0x80000047;
	s7 =	ssub.s32 $0x2, s3;
	s28 =	sshll.u32 s3, $0x2  }
0xb: {  	v3 =	vmul.u32 $0x30, v0;
	v0 =	vmov s3;
	s3 =	simm.s32 $0x1D920;
	s26 =	sshrl.u32 s7, $0x1;
	s2 =	sadd.s32 s2, s28  }
0xc: {  	s11 =	sshrl.u32 s11, $0x2;
	s19 =	sadd.s32 $0x4E2, s9;
	s0 =	ssub.s32 s7, s26  }
0xd: {  	s7 =	sshrl.u32 s8, $0x4;
	s8 =	sshll.u32 s12, $0x7;
	s10 =	sadd.s32 s10, s2  }
0xe: {  	s12 =	sadd.s32 $0x271, s9;
	s11 =	sadd.s32 s11, s1;
	s20 =	sshll.u32 s19, $0x3  }
0xf: {  	[dreg:$0x5] =	wrdreg s10;
	s0 =	smax.u32 s0, $0x1;
	s13 =	sshll.u32 s12, $0x3  }
0x10: {  	s10 =	sshll.u32 s12, $0x5;
	s12 =	sadd.s32 s20, s2;
	s20 =	simm.s32 $0x80  }
0x11: {  	[dreg:$0x6] =	wrdreg s0;
	s0 =	sadd.s32 s13, s2;
	s15 =	sadd.s32 s10, s1  }
0x12: {  	s10 =	sshll.u32 s19, $0x5;
	s13 =	sadd.s32 $0x753, s9;
	[dreg:$0x8] =	wrdreg s12  }
0x13: {  	s9 =	sadd.s32 $0x9C4, s9;
	s19 =	simm.s32 $0x18720;
	[dreg:$0x7] =	wrdreg s0  }
0x14: {  	s10 =	sadd.s32 s10, s1;
	s21 =	sshll.u32 s13, $0x3;
	s22 =	sshll.u32 s13, $0x5  }
0x15: {  	s23 =	sshll.u32 s9, $0x3;
	s9 =	sshll.u32 s9, $0x5;
	s0 =	sshrl.u32 s15, $0x3  }
0x16: {  	s12 =	sadd.s32 s21, s2;
	s2 =	sadd.s32 s23, s2;
	[dreg:$0xb] =	wrdreg s0  }
0x17: {  	s24 =	sadd.s32 s9, s1;
	s25 =	sshrl.u32 s10, $0x3;
	[dreg:$0x9] =	wrdreg s12  }
0x18: {  	s0 =	simm.s32 $0x1D8A0;
	s9 =	simm.s32 $0x1D9A0;
	[dreg:$0xa] =	wrdreg s2  }
0x19: {  	s12 =	sadd.s32 s22, s1;
	[dreg:$0xc] =	wrdreg s25;
	s28 =	sshrl.u32 s24, $0x3  }
0x1a: {  	s10 =	simm.s32 $0x1B8A0;
	s26 =	sshrl.u32 s12, $0x3;
	[dreg:$0xe] =	wrdreg s28  }
0x1b: {  	v1 =	vimm.f32 $0.0e+00;
	v2 =	vadd.s32 $0x20, v3;
	v3 =	vadd.s32 $0x21, v3;
	s12 =	simm.s32 $0x1C8A0;
	[dreg:$0xd] =	wrdreg s26;
	s26 =	simm.s32 $0x188A0  }
.LBB2_1:
0x1c: {  	s2 =	simm.s32 $0x0  }
.LBB2_2:
0x1d: {  	p0 =	sne.s32 s2, $0x3E00  }
.Ltmp0:
0x1e: {  	_ = 	snop;
	(pc) =	sbr.rel @p0 .LBB2_2-.Ltmp0, $4  }
0x1f: {  	_ = 	snop  }
0x20: {  	s13 =	sshra.s32 s2, $0x2  }
0x21: {  	[tilespmem:s13+$0x1DA20] =	vst v1  }
0x22: {  	s2 =	sadd.s32 $0x80, s2;
	[tilespmem:s13+$0x1DA30] =	vst v1  }
0x23: {  	[dreg:$0x4] =	wrdreg s14;
	s2 =	sadd.s32 $0x0, s11  }
0x24: {  	[spmem:s2] =	stream.linear.scatter [tilespmem:s16], [sflag:$0x3], $0xFA0, $0x38;
	[tilespmem:$0x1E9C0] =	vst v63  }
0x25: {  	s2 =	simm.s32 $0x3E80;
	_ =	swait.ge [sflag:s17], $0xFA0  }
.LBB2_4:
0x26: {  	s13 =	sshra.s32 s2, $0x2;
	[sflag:s17] =	ssyncset.done $0x0;
	p0 =	sne.s32 s2, $0x5DC00  }
.Ltmp1:
0x27: {  	s13 =	sadd.s32 s13, s11;
	[sflag:s17] =	ssyncadd.s32 $0xFFFFF060;
	(pc) =	sbr.rel @p0 .LBB2_4-.Ltmp1, $3  }
0x28: {  	[spmem:s13] =	stream.linear.scatter [tilespmem:s16], [sflag:$0x3], $0xFA0, $0x38;
	[tilespmem:$0x1E9C0] =	vst v63  }
0x29: {  	s2 =	sadd.s32 $0x3E80, s2;
	_ =	sdelay $0x1  }
0x2a: {  	_ =	swait.ge [sflag:s17], $0xFA0  }
0x2b: {  	[sflag:s17] =	ssyncset.done $0x0  }
0x2c: {  	[sflag:s17] =	ssyncadd.s32 $0xFFFFF060  }
0x2d: {  	s15 =	simm.s32 $0x0;
	s21 =	simm.s32 $0x0;
	[bflag:$0x0] =	sbarrier.arrive $0xFFFF  }
.LBB2_6:
0x2e: {  	s2 =	sshll.u32 s21, $0xB  }
0x2f: {  	s2 =	sor.u32 s8, s2  }
0x30: {  	s2 =	sshrl.u32 s2, $0x3  }
0x31: {  	s13 =	sadd.s32 s5, s2  }
0x32: {  	[tilespmem:s18], [sflag:$0x3] =	stream.linear.gather [hbm4b:s13+s15], $0x80, $0x38;
	[tilespmem:$0x1E9C0] =	vst v63  }
0x33: {  	_ =	swait.ge [sflag:s17], $0x80  }
0x34: {  	[sflag:s17] =	ssyncset.done $0x0  }
0x35: {  	s2 =	sadd.s32 s6, s2;
	[sflag:s17] =	ssyncadd.s32 $0xFFFFFF80  }
0x36: {  	[tilespmem:s19], [sflag:$0x3] =	stream.linear.gather [hbm4b:s2+s15], $0x80, $0x38;
	[tilespmem:$0x1E9C0] =	vst v63  }
0x37: {  	_ =	swait.ge [sflag:s17], $0x80  }
0x38: {  	[sflag:s17] =	ssyncset.done $0x0  }
0x39: {  	[sflag:s17] =	ssyncadd.s32 $0xFFFFFF80  }
0x3a: {  	v4 =	vld [tilespmem:$0x186A0]  }
0x3b: {  	v5 =	vld [tilespmem:$0x18720]  }
0x3c: {  	v6 =	vld [tilespmem:$0x186B0]  }
0x3d: {  	v7 =	vld [tilespmem:$0x18730]  }
0x3e: {  	v8 =	vld [tilespmem:$0x186C0]  }
0x3f: {  	v9 =	vld [tilespmem:$0x18740];
	v4 =	vshll.u32 v4, $0x1  }
0x40: {  	v10 =	vld [tilespmem:$0x186D0];
	v5 =	vshll.u32 v5, $0x1;
	v4 =	vor.u32 v0, v4  }
0x41: {  	[tilespmem:$0x187A0] =	vst v4;
	v4 =	vor.u32 v0, v5;
	v5 =	vshll.u32 v6, $0x1;
	v6 =	vld [tilespmem:$0x18750]  }
0x42: {  	[tilespmem:$0x18820] =	vst v4;
	v4 =	vor.u32 v0, v5;
	v5 =	vshll.u32 v7, $0x1;
	v7 =	vld [tilespmem:$0x186E0]  }
0x43: {  	[tilespmem:$0x187B0] =	vst v4;
	v4 =	vor.u32 v0, v5;
	v5 =	vshll.u32 v8, $0x1;
	v8 =	vld [tilespmem:$0x18760]  }
0x44: {  	[tilespmem:$0x18830] =	vst v4;
	v4 =	vor.u32 v0, v5;
	v5 =	vshll.u32 v9, $0x1;
	v9 =	vld [tilespmem:$0x186F0]  }
0x45: {  	[tilespmem:$0x187C0] =	vst v4;
	v4 =	vor.u32 v0, v5;
	v5 =	vshll.u32 v10, $0x1;
	v10 =	vld [tilespmem:$0x18770]  }
0x46: {  	[tilespmem:$0x18840] =	vst v4;
	v4 =	vor.u32 v0, v5;
	v5 =	vshll.u32 v6, $0x1;
	v6 =	vld [tilespmem:$0x18700]  }
0x47: {  	[tilespmem:$0x187D0] =	vst v4;
	v4 =	vor.u32 v0, v5;
	v5 =	vshll.u32 v7, $0x1;
	v7 =	vld [tilespmem:$0x18780]  }
0x48: {  	[tilespmem:$0x18850] =	vst v4;
	v4 =	vor.u32 v0, v5;
	v5 =	vshll.u32 v8, $0x1;
	v8 =	vld [tilespmem:$0x18710]  }
0x49: {  	[tilespmem:$0x187E0] =	vst v4;
	v4 =	vor.u32 v0, v5;
	v5 =	vshll.u32 v9, $0x1;
	v9 =	vld [tilespmem:$0x18790]  }
0x4a: {  	[tilespmem:$0x18860] =	vst v4;
	v4 =	vor.u32 v0, v5;
	v5 =	vshll.u32 v10, $0x1  }
0x4b: {  	[tilespmem:$0x187F0] =	vst v4;
	v4 =	vor.u32 v0, v5;
	v5 =	vshll.u32 v6, $0x1  }
0x4c: {  	[tilespmem:$0x18870] =	vst v4;
	v4 =	vor.u32 v0, v5;
	v5 =	vshll.u32 v7, $0x1  }
0x4d: {  	[tilespmem:$0x18800] =	vst v4;
	v4 =	vor.u32 v0, v5;
	v5 =	vshll.u32 v8, $0x1  }
0x4e: {  	[tilespmem:$0x18880] =	vst v4;
	v4 =	vor.u32 v0, v5;
	v5 =	vshll.u32 v9, $0x1  }
0x4f: {  	[tilespmem:$0x18810] =	vst v4;
	v4 =	vor.u32 v0, v5  }
0x50: {  	s23 =	simm.s32 $0x187A0;
	[tilespmem:$0x18890] =	vst v4;
	v4 =	vmov s15  }
0x51: {  	[tilespmem:s26], [sflag:$0x1] =	stream.indirect.gather [hbm4b:s4+s20], $0x30, s23, s20, $0xb8;
	v4 =	vmul.u32 $0x30, v4;
	[tilespmem:$0x1E9C0] =	vst v63  }
0x52: {  	s24 =	simm.s32 $0x18820  }
0x53: {  	[tilespmem:s29], [sflag:$0x2] =	stream.indirect.gather [hbm4b:s4+s20], $0x30, s24, s20, $0xb8;
	v4 =	vbroadcast v4, $0x0;
	[tilespmem:$0x1E9C0] =	vst v63  }
0x54: {  	_ =	swait.ge [sflag:s30], $0x1800  }
0x55: {  	[sflag:s30] =	ssyncset.done $0x0;
	v5 =	vadd.s32 v2, v4  }
0x56: {  	[sflag:s30] =	ssyncadd.s32 $0xFFFFE800  }
0x57: {  	v4 =	vadd.s32 v3, v4;
	_ =	swait.ge [sflag:s31], $0x1800  }
0x58: {  	[sflag:s31] =	ssyncset.done $0x0  }
0x59: {  	[sflag:s31] =	ssyncadd.s32 $0xFFFFE800  }
0x5a: {  	v6 =	vld.idx.msk [tilespmem:v5+s29+$0x0], $0xffff  }
0x5b: {  	v5 =	vld.idx.msk [tilespmem:v5+s26+$0x0], $0xffff  }
0x5c: {  	v7 =	vld.idx.msk [tilespmem:v4+s29+$0x0], $0xffff  }
0x5d: {  	v4 =	vld.idx.msk [tilespmem:v4+s26+$0x0], $0xffff;
	_ =	sdelay $0x3  }
0x5e: {  	v5 =	vadd.f32 v7, v5  }
0x5f: {  	v4 =	vadd.f32 v6, v4  }
0x60: {  	v5 =	vadd.f32 v5, v5  }
0x61: {  	v4 =	vadd.f32 v4, v4  }
0x62: {  	v5 =	vmul.f32 $1.442695020e+00, v5  }
0x63: {  	v4 =	vmul.f32 $1.442695020e+00, v4  }
0x64: {  	(erf) = vpow2.f32 v5  }
0x65: {  	(erf) = vpow2.f32 v4;
	_ =	sdelay $0x7  }
0x66: {  	v4 =	vpop (erf)  }
0x67: {  	v4 =	vadd.f32 $1.000000000e+00, v4;
	v5 =	vpop (erf)  }
0x68: {  	v5 =	vadd.f32 $1.000000000e+00, v5  }
0x69: {  	(erf) = vrcp.f32 v4  }
0x6a: {  	(erf) = vrcp.f32 v5;
	_ =	sdelay $0x7  }
0x6b: {  	s25 =	simm.s32 $0x10;
	v4 =	vpop (erf)  }
0x6c: {  	v5 =	vmov s25;
	v6 =	vpop (erf)  }
0x6d: {  	v5 =	vmul.u32 $0x30, v5;
	v4 =	vadd.f32 v4, v4;
	v6 =	vadd.f32 v6, v6;
	_ =	sdelay $0x1  }
0x6e: {  	v5 =	vbroadcast v5, $0x0;
	v4 =	vsub.f32 $1.000000000e+00, v4;
	v6 =	vsub.f32 $1.000000000e+00, v6;
	_ =	sdelay $0x1  }
0x6f: {  	v7 =	vadd.s32 v2, v5;
	v8 =	vmul.f32 v4, v6  }
0x70: {  	s23 =	simm.s32 $0x1D8A0;
	v4 =	vmul.f32 v4, v4  }
0x71: {  	s22 =	simm.s32 $0x1D920;
	v5 =	vadd.s32 v3, v5;
	v6 =	vmul.f32 v6, v6;
	[tilespmem:s23+$0x0] =	vst v8  }
0x72: {  	s24 =	simm.s32 $0x1D9A0;
	[tilespmem:s22+$0x0] =	vst v4  }
0x73: {  	[tilespmem:s24+$0x0] =	vst v6  }
0x74: {  	v4 =	vld.idx.msk [tilespmem:v7+s29+$0x0], $0xffff  }
0x75: {  	v6 =	vld.idx.msk [tilespmem:v7+s26+$0x0], $0xffff  }
0x76: {  	v7 =	vld.idx.msk [tilespmem:v5+s29+$0x0], $0xffff  }
0x77: {  	v5 =	vld.idx.msk [tilespmem:v5+s26+$0x0], $0xffff;
	_ =	sdelay $0x3  }
0x78: {  	v6 =	vadd.f32 v7, v6  }
0x79: {  	v4 =	vadd.f32 v4, v5  }
0x7a: {  	v5 =	vadd.f32 v6, v6  }
0x7b: {  	v4 =	vadd.f32 v4, v4  }
0x7c: {  	v5 =	vmul.f32 $1.442695020e+00, v5  }
0x7d: {  	v4 =	vmul.f32 $1.442695020e+00, v4  }
0x7e: {  	(erf) = vpow2.f32 v5  }
0x7f: {  	(erf) = vpow2.f32 v4;
	_ =	sdelay $0x7  }
0x80: {  	v4 =	vpop (erf)  }
0x81: {  	v4 =	vadd.f32 $1.000000000e+00, v4;
	v5 =	vpop (erf)  }
0x82: {  	v5 =	vadd.f32 $1.000000000e+00, v5  }
0x83: {  	(erf) = vrcp.f32 v4  }
0x84: {  	(erf) = vrcp.f32 v5;
	_ =	sdelay $0x7  }
0x85: {  	s28 =	simm.s32 $0x20;
	v4 =	vpop (erf)  }
0x86: {  	v5 =	vmov s28;
	v6 =	vpop (erf)  }
0x87: {  	v5 =	vmul.u32 $0x30, v5;
	v4 =	vadd.f32 v4, v4;
	v6 =	vadd.f32 v6, v6;
	_ =	sdelay $0x1  }
0x88: {  	v5 =	vbroadcast v5, $0x0;
	v7 =	vsub.f32 $1.000000000e+00, v4;
	v6 =	vsub.f32 $1.000000000e+00, v6;
	_ =	sdelay $0x1  }
0x89: {  	s13 =	simm.s32 $0x30;
	v4 =	vadd.s32 v2, v5;
	v8 =	vmul.f32 v7, v6  }
.LBB2_7:
0x8a: {  	p0 =	sne.s32 s13, $0x70;
	v7 =	vmul.f32 v7, v7;
	s23 =	sadd.s32 $0x10, s23  }
0x8b: {  	v5 =	vadd.s32 v3, v5;
	v6 =	vmul.f32 v6, v6;
	s22 =	sadd.s32 $0x10, s22;
	[tilespmem:s23+$0x0] =	vst v8  }
0x8c: {  	s24 =	sadd.s32 $0x10, s24;
	[tilespmem:s22+$0x0] =	vst v7  }
0x8d: {  	[tilespmem:s24+$0x0] =	vst v6  }
0x8e: {  	v6 =	vld.idx.msk [tilespmem:v4+s29+$0x0], $0xffff  }
0x8f: {  	v4 =	vld.idx.msk [tilespmem:v4+s26+$0x0], $0xffff  }
0x90: {  	v7 =	vld.idx.msk [tilespmem:v5+s29+$0x0], $0xffff  }
0x91: {  	v5 =	vld.idx.msk [tilespmem:v5+s26+$0x0], $0xffff;
	_ =	sdelay $0x4  }
0x92: {  	v4 =	vadd.f32 v7, v4  }
0x93: {  	v5 =	vadd.f32 v6, v5  }
0x94: {  	v4 =	vadd.f32 v4, v4  }
0x95: {  	v5 =	vadd.f32 v5, v5  }
0x96: {  	v4 =	vmul.f32 $1.442695020e+00, v4  }
0x97: {  	v5 =	vmul.f32 $1.442695020e+00, v5  }
0x98: {  	(erf) = vpow2.f32 v4  }
0x99: {  	(erf) = vpow2.f32 v5;
	_ =	sdelay $0x7  }
0x9a: {  	v4 =	vpop (erf)  }
0x9b: {  	v4 =	vadd.f32 $1.000000000e+00, v4;
	v5 =	vpop (erf)  }
0x9c: {  	v5 =	vadd.f32 $1.000000000e+00, v5  }
0x9d: {  	(erf) = vrcp.f32 v4  }
0x9e: {  	(erf) = vrcp.f32 v5;
	_ =	sdelay $0x7  }
0x9f: {  	v4 =	vpop (erf)  }
0xa0: {  	v5 =	vmov s13;
	v6 =	vpop (erf)  }
.Ltmp2:
0xa1: {  	v5 =	vmul.u32 $0x30, v5;
	v4 =	vadd.f32 v4, v4;
	v6 =	vadd.f32 v6, v6;
	(pc) =	sbr.rel @p0 .LBB2_7-.Ltmp2, $3  }
0xa2: {  	_ = 	snop  }
0xa3: {  	v5 =	vbroadcast v5, $0x0;
	v7 =	vsub.f32 $1.000000000e+00, v4;
	v6 =	vsub.f32 $1.000000000e+00, v6;
	_ =	sdelay $0x1  }
0xa4: {  	s13 =	sadd.s32 $0x10, s13;
	v4 =	vadd.s32 v2, v5;
	v8 =	vmul.f32 v7, v6  }
0xa5: {  	v7 =	vmul.f32 v7, v7;
	s2 =	sadd.s32 $0x10, s23  }
0xa6: {  	v5 =	vadd.s32 v3, v5;
	v6 =	vmul.f32 v6, v6;
	s13 =	sadd.s32 $0x10, s22;
	[tilespmem:s2+$0x0] =	vst v8  }
0xa7: {  	s14 =	sadd.s32 $0x10, s24;
	[tilespmem:s13+$0x0] =	vst v7  }
0xa8: {  	[tilespmem:s14+$0x0] =	vst v6  }
0xa9: {  	v6 =	vld.idx.msk [tilespmem:v4+s29+$0x0], $0xffff  }
0xaa: {  	v4 =	vld.idx.msk [tilespmem:v4+s26+$0x0], $0xffff  }
0xab: {  	v7 =	vld.idx.msk [tilespmem:v5+s29+$0x0], $0xffff  }
0xac: {  	v5 =	vld.idx.msk [tilespmem:v5+s26+$0x0], $0xffff;
	_ =	sdelay $0x3  }
0xad: {  	v4 =	vadd.f32 v7, v4  }
0xae: {  	v5 =	vadd.f32 v6, v5  }
0xaf: {  	v4 =	vadd.f32 v4, v4  }
0xb0: {  	v5 =	vadd.f32 v5, v5  }
0xb1: {  	v4 =	vmul.f32 $1.442695020e+00, v4  }
0xb2: {  	v5 =	vmul.f32 $1.442695020e+00, v5  }
0xb3: {  	(erf) = vpow2.f32 v4  }
0xb4: {  	(erf) = vpow2.f32 v5;
	_ =	sdelay $0x7  }
0xb5: {  	v4 =	vpop (erf)  }
0xb6: {  	v4 =	vadd.f32 $1.000000000e+00, v4;
	v5 =	vpop (erf)  }
0xb7: {  	v5 =	vadd.f32 $1.000000000e+00, v5  }
0xb8: {  	(erf) = vrcp.f32 v4  }
0xb9: {  	(erf) = vrcp.f32 v5;
	_ =	sdelay $0x7  }
0xba: {  	v4 =	vpop (erf)  }
0xbb: {  	v5 =	vpop (erf)  }
0xbc: {  	v4 =	vadd.f32 v4, v4;
	v5 =	vadd.f32 v5, v5;
	_ =	sdelay $0x1  }
0xbd: {  	v4 =	vsub.f32 $1.000000000e+00, v4;
	v5 =	vsub.f32 $1.000000000e+00, v5;
	_ =	sdelay $0x1  }
0xbe: {  	v6 =	vmul.f32 v4, v5  }
0xbf: {  	s2 =	sadd.s32 $0x10, s2;
	v4 =	vmul.f32 v4, v4  }
0xc0: {  	s23 =	simm.s32 $0x0;
	s24 =	sadd.s32 $0x10, s13;
	v5 =	vmul.f32 v5, v5;
	[tilespmem:s2+$0x0] =	vst v6  }
0xc1: {  	s25 =	sadd.s32 $0x10, s14;
	v6 =	vmov s23;
	[tilespmem:s24+$0x0] =	vst v4  }
0xc2: {  	s28 =	simm.s32 $0x1A0B0;
	[tilespmem:s25+$0x0] =	vst v5  }
0xc3: {  	s13 =	simm.s32 $0x188B0;
	v7 =	vld [tilespmem:s28+$0xFFFFFFF0]  }
0xc4: {  	v9 =	vld [tilespmem:s13+$0xFFFFFFF0]  }
0xc5: {  	v10 =	vld [tilespmem:s28+$0x0]  }
0xc6: {  	v5 =	vld.idx.msk [tilespmem:v6+s0+$0x0], $0xffff  }
0xc7: {  	v8 =	vld.idx.msk [tilespmem:v6+s3+$0x0], $0xffff  }
0xc8: {  	v4 =	vld [tilespmem:s13+$0x0]  }
0xc9: {  	v11 =	vld.idx.msk [tilespmem:v6+s9+$0x0], $0xffff;
	_ =	sdelay $0x1  }
0xca: {  	v12 =	vmul.f32 v7, v5  }
0xcb: {  	v13 =	vmul.f32 v9, v8;
	v14 =	vmul.f32 v10, v5  }
0xcc: {  	v15 =	vmul.f32 v4, v8;
	v6 =	vmul.f32 v9, v5  }
0xcd: {  	s22 =	simm.s32 $0x1B8B0;
	s14 =	simm.s32 $0x1C8B0;
	s23 =	simm.s32 $0x1C8B0;
	v4 =	vmul.f32 v4, v5;
	v9 =	vmul.f32 v7, v11  }
0xce: {  	s2 =	simm.s32 $0x1A0E0;
	s24 =	simm.s32 $0x1;
	s25 =	simm.s32 $0x1B8B0;
	v7 =	vmul.f32 v10, v11;
	v8 =	vsub.f32 v12, v13;
	v5 =	vsub.f32 v14, v15  }
.LBB2_9:
0xcf: {  	s13 =	sadd.s32 $0x30, s13  }
0xd0: {  	[tilespmem:s22+$0xFFFFFFF0] =	vst v8;
	v6 =	vsub.f32 v6, v9;
	s25 =	sadd.s32 $0x20, s25;
	s23 =	sadd.s32 $0x20, s23;
	s28 =	smov.u32 s24  }
0xd1: {  	p0 =	sne.s32 s24, $0x7F;
	s24 =	sadd.s32 $0x1, s24;
	[tilespmem:s22+$0x0] =	vst v5;
	v4 =	vsub.f32 v4, v7;
	s22 =	smov.u32 s25  }
0xd2: {  	v5 =	vmov s28;
	[tilespmem:s14+$0xFFFFFFF0] =	vst v6  }
0xd3: {  	[tilespmem:s14+$0x0] =	vst v4;
	s14 =	smov.u32 s23  }
0xd4: {  	v4 =	vld [tilespmem:s13+$0x0]  }
0xd5: {  	v7 =	vld [tilespmem:s2+$0x0]  }
0xd6: {  	v9 =	vld [tilespmem:s2+$0xFFFFFFF0]  }
0xd7: {  	v8 =	vld.idx.msk [tilespmem:v5+s0+$0x0], $0xffff  }
0xd8: {  	v6 =	vld.idx.msk [tilespmem:v5+s3+$0x0], $0xffff  }
0xd9: {  	v10 =	vld [tilespmem:s13+$0xFFFFFFF0]  }
0xda: {  	v11 =	vld.idx.msk [tilespmem:v5+s9+$0x0], $0xffff;
	_ =	sdelay $0x2  }
.Ltmp3:
0xdb: {  	v5 =	vmul.f32 v9, v8;
	v12 =	vmul.f32 v7, v8;
	(pc) =	sbr.rel @p0 .LBB2_9-.Ltmp3, $4  }
0xdc: {  	v14 =	vmul.f32 v4, v6;
	v13 =	vmul.f32 v10, v6  }
0xdd: {  	v4 =	vmul.f32 v4, v8;
	v6 =	vmul.f32 v10, v8  }
0xde: {  	v9 =	vmul.f32 v9, v11;
	v8 =	vsub.f32 v5, v13;
	v5 =	vsub.f32 v12, v14  }
0xdf: {  	s2 =	sadd.s32 $0x30, s2;
	v7 =	vmul.f32 v7, v11  }
0xe0: {  	[tilespmem:s22+$0xFFFFFFF0] =	vst v8;
	v6 =	vsub.f32 v6, v9  }
0xe1: {  	[tilespmem:s22+$0x0] =	vst v5;
	v4 =	vsub.f32 v4, v7  }
0xe2: {  	[tilespmem:s14+$0xFFFFFFF0] =	vst v6  }
0xe3: {  	[tilespmem:s14+$0x0] =	vst v4  }
0xe4: {  	[spmem:s1] =	stream.indirect.scatter.add.f32 [tilespmem:s10], [sflag:$0x3], $0x20, s18, s20, $0xb8;
	[tilespmem:$0x1E9C0] =	vst v63  }
0xe5: {  	s21 =	sadd.s32 $0x1, s21;
	_ =	swait.ge [sflag:s17], $0x1000  }
0xe6: {  	p0 =	sne.s32 s21, s7;
	[sflag:s17] =	ssyncset.done $0x0  }
.Ltmp4:
0xe7: {  	[sflag:s17] =	ssyncadd.s32 $0xFFFFF000;
	(pc) =	sbr.rel @p0 .LBB2_6-.Ltmp4, $4  }
0xe8: {  	[spmem:s1] =	stream.indirect.scatter.add.f32 [tilespmem:s12], [sflag:$0x3], $0x20, s19, s20, $0xb8;
	[tilespmem:$0x1E9C0] =	vst v63  }
0xe9: {  	_ =	swait.ge [sflag:s17], $0x1000  }
0xea: {  	[sflag:s17] =	ssyncset.done $0x0  }
0xeb: {  	[sflag:s17] =	ssyncadd.s32 $0xFFFFF000  }
0xec: {  	s2 =	stileid.u32;
	[bflag:$0x0] =	sbarrier.arrive $0xFFFF  }
0xed: {  	s13 =	sshrl.u32 s11, $0x3;
	s15 =	simm.s32 $0x8;
	s2 =	sshll.u32 s2, $0x6  }
0xee: {  	s21 =	simm.s32 $0x4;
	s14 =	rddreg [dreg:$0x5];
	s2 =	sor.u32 $0x1C03, s2  }
0xef: {  	[hbm:s14@s15], [sflag:s2] =	dma.strided [spmem:s13@s21], $0x9C4, s30, $0x4   }
0xf0: {  	_ =	swait.ge [sflag:s17], $0x9C4  }
0xf1: {  	[sflag:s17] =	ssyncset.done $0x0;
	s23 =	rddreg [dreg:$0x7]  }
0xf2: {  	s24 =	rddreg [dreg:$0xb];
	[sflag:s17] =	ssyncadd.s32 $0xFFFFF63C  }
0xf3: {  	[hbm:s23@s15], [sflag:s2] =	dma.strided [spmem:s24@s21], $0x9C4, s30, $0x4   }
0xf4: {  	_ =	swait.ge [sflag:s17], $0x9C4  }
0xf5: {  	[sflag:s17] =	ssyncset.done $0x0;
	s25 =	rddreg [dreg:$0x8]  }
0xf6: {  	s28 =	rddreg [dreg:$0xc];
	[sflag:s17] =	ssyncadd.s32 $0xFFFFF63C  }
0xf7: {  	[hbm:s25@s15], [sflag:s2] =	dma.strided [spmem:s28@s21], $0x9C4, s30, $0x4   }
0xf8: {  	_ =	swait.ge [sflag:s17], $0x9C4  }
0xf9: {  	[sflag:s17] =	ssyncset.done $0x0;
	s14 =	rddreg [dreg:$0x9]  }
0xfa: {  	s22 =	rddreg [dreg:$0xd];
	[sflag:s17] =	ssyncadd.s32 $0xFFFFF63C  }
0xfb: {  	[hbm:s14@s15], [sflag:s2] =	dma.strided [spmem:s22@s21], $0x9C4, s30, $0x4   }
0xfc: {  	_ =	swait.ge [sflag:s17], $0x9C4  }
0xfd: {  	[sflag:s17] =	ssyncset.done $0x0;
	s23 =	rddreg [dreg:$0xa]  }
0xfe: {  	s24 =	rddreg [dreg:$0xe];
	[sflag:s17] =	ssyncadd.s32 $0xFFFFF63C  }
0xff: {  	[hbm:s23@s15], [sflag:s2] =	dma.strided [spmem:s24@s21], $0x9C4, s30, $0x4   }
0x100: {  	_ =	swait.ge [sflag:s17], $0x9C4  }
0x101: {  	s25 =	rddreg [dreg:$0x4]  }
0x102: {  	s28 =	rddreg [dreg:$0x6];
	s14 =	sadd.s32 $0x1, s25  }
0x103: {  	p0 =	sne.s32 s14, s28  }
.Ltmp5:
0x104: {  	_ = 	snop;
	(pc) =	sbr.rel @p0 .LBB2_1-.Ltmp5, $3  }
0x105: {  	_ =	sdelay $0x1  }
0x106: {  	[sflag:s17] =	ssyncset.done $0x0  }
0x107: {  	[sflag:s17] =	ssyncadd.s32 $0xFFFFF63C  }
0x108: {  	_ =	sfence.sel $0x180000  }
0x109: {  	[bflag:$0x0] =	sbarrier.arrive $0xFFFF  }
0x10a: {  	_ =	strace $0x90000047  }
0x10b: {  	s0 =	stileid.u32;
	[bflag:$0x2] =	sbarrier.arrive $0xFFFF  }
0x10c: {  	p0 =	sne.s32 s0, $0x0;
	s0 =	rddreg [dreg:$0x3]  }
0x10d: {  	s0 =	sadd.s32 @!p0 $0x100000, s0  }
0x10e: {  	[sflag:s0] =	ssyncadd.tile.s32 @!p0 $0x1;
	_ =	shalt  }
.Lfunc_end2:
_tile_overlayer_lowered:
.L_overlay_start_2:
0x10f: {  	(tag) =	ssettag $0x2  }
0x110: {  	s0 =	rddreg [dreg:$0x0];
	s2 =	stileid.u32  }
0x111: {  	s1 =	rddreg [dreg:$0x1];
	p0 =	sne.s32 s2, $0x0  }
0x112: {  	s3 =	rddreg [dreg:$0x2];
	[bflag:$0x3] =	sbarrier.arrive $0xFFFF;
	s2 =	simm.s32 @!p0 $0x1C03  }
0x113: {  	[timem:s3], [sflag:s2] =	dma.local @!p0 [hbm:s0], s1  }
0x114: {  	s0 =	simm.s32 @!p0 $0x3  }
0x115: {  	_ =	swait.ge @!p0 [sflag:s0], s1  }
0x116: {  	s1 =	ssub.s32 @!p0 $0x0, s1;
	[sflag:s0] =	ssyncset.done @!p0 $0x0  }
0x117: {  	[sflag:s0] =	ssyncadd.s32 @!p0 s1  }
0x118: {  	[bflag:$0x3] =	sbarrier.arrive $0xFFFF  }
0x119: {  	_ =	shalt  }

</sc_bundles>
